<compile_context>
chip_gen: v7x
topology: tpu7x:2x2x1
jax: 0.10.2.dev20260603
libtpu: 0.0.44.dev20260713+nightly
codegen_flags: <defaults>
</compile_context>

<pallas_src>
import functools

import jax
import jax.numpy as jnp
from jax import lax
from jax.experimental import pallas as pl
from jax.experimental.pallas import tpu as pltpu
from jax.experimental.pallas import tpu_sc as plsc

N = 10000
E = 160000
NROW = 10240
RPT = 640
CHK = 128
NCHK = 80
EPAD = 16 * NCHK * CHK
NCH_DEG = 40
NSLOT = 4
D = 256
F32 = jnp.float32

@functools.lru_cache(maxsize=None)
def _mesh():
    return plsc.VectorSubcoreMesh(core_axis_name="c", subcore_axis_name="s",
                                  num_cores=2, num_subcores=16)


def _deg_body(dsts, zrows8, ones8, out, hist, ones_v, dbufs, ddsems):
    c = lax.axis_index("c")
    s = lax.axis_index("s")
    t = c * 16 + s
    pltpu.sync_copy(ones8, ones_v)
    r0 = s * RPT
    pltpu.sync_copy(zrows8.at[pl.ds(r0, RPT)], hist.at[pl.ds(r0, RPT)])

    def idx_cp(ci, b):
        return pltpu.async_copy(dsts.at[t, ci], dbufs[b], ddsems[b])

    for b in range(2):
        idx_cp(b, b)
    plsc.subcore_barrier()

    @pl.loop(0, NCH_DEG // NSLOT)
    def _(g):
        for u in range(NSLOT):
            ci = NSLOT * g + u
            b2 = (u + 2) % NSLOT

            @pl.when(ci + 2 < NCH_DEG)
            def _():
                idx_cp(ci + 2, b2)

            pltpu.make_async_copy(dsts.at[t, ci], dbufs[u], ddsems[u]).wait()
            pltpu.sync_copy(ones_v, hist.at[dbufs[u]], add=True)

    plsc.subcore_barrier()
    pltpu.sync_copy(hist.at[pl.ds(r0, RPT)], out.at[c, pl.ds(r0, RPT)])


@functools.lru_cache(maxsize=None)
def _deg():
    return pl.kernel(
        _deg_body,
        out_type=jax.ShapeDtypeStruct((2, NROW, 8), F32),
        mesh=_mesh(),
        scratch_types=[
            pltpu.VMEM_SHARED((NROW, 8), F32),
            pltpu.VMEM((CHK, 8), F32),
            [pltpu.VMEM((CHK,), jnp.int32)] * NSLOT,
            [pltpu.SemaphoreType.DMA] * NSLOT,
        ],
    )


def _agg_body(ycat, srcs, dsts, zrows, out,
              acc, srcmat, dbufs, rows, gsems, dsems):
    c = lax.axis_index("c")
    s = lax.axis_index("s")
    pltpu.sync_copy(srcs.at[c, s], srcmat)
    r0 = s * RPT
    pltpu.sync_copy(zrows.at[pl.ds(r0, RPT)], acc.at[pl.ds(r0, RPT)])
    plsc.subcore_barrier()

    for b in range(2):
        pltpu.async_copy(dsts.at[s, b], dbufs[b], dsems[b])
        pltpu.async_copy(ycat.at[srcmat.at[b]], rows[b], gsems[b])

    @pl.loop(0, NCHK // 2)
    def _(g):
        for b in range(2):
            ci = 2 * g + b
            pltpu.make_async_copy(ycat.at[srcmat.at[ci]], rows[b],
                                  gsems[b]).wait()
            pltpu.make_async_copy(dsts.at[s, ci], dbufs[b], dsems[b]).wait()
            pltpu.sync_copy(rows[b], acc.at[dbufs[b]], add=True)
            nxt = ci + 2

            @pl.when(nxt < NCHK)
            def _():
                pltpu.async_copy(dsts.at[s, nxt], dbufs[b], dsems[b])
                pltpu.async_copy(ycat.at[srcmat.at[nxt]], rows[b], gsems[b])

    plsc.subcore_barrier()
    pltpu.sync_copy(acc.at[pl.ds(r0, RPT)], out.at[c, pl.ds(r0, RPT)])


@functools.lru_cache(maxsize=None)
def _agg():
    return pl.kernel(
        _agg_body,
        out_type=jax.ShapeDtypeStruct((2, NROW, 128), F32),
        mesh=_mesh(),
        scratch_types=[
            pltpu.VMEM_SHARED((NROW, 128), F32),
            pltpu.VMEM((NCHK, CHK), jnp.int32),
            [pltpu.VMEM((CHK,), jnp.int32)] * 2,
            [pltpu.VMEM((CHK, 128), F32)] * 2,
            [pltpu.SemaphoreType.DMA] * 2,
            [pltpu.SemaphoreType.DMA] * 2,
        ],
    )


ROWT = 400
GRID = N // ROWT


def _mm1s_body(x_ref, w_ref, h_ref, y_ref, dv_ref):
    xw = lax.dot_general(x_ref[...], w_ref[...],
                         (((1,), (1,)), ((), ())),
                         preferred_element_type=F32)
    hist = h_ref[0, :, 0] + h_ref[1, :, 0]
    dv = lax.rsqrt(hist + 1.0)
    dv_ref[...] = dv[:, None]
    y = xw * dv[:, None]
    y_ref[0] = y[:, :128]
    y_ref[1] = y[:, 128:]


_mm1s = pl.pallas_call(
    _mm1s_body,
    grid=(GRID,),
    in_specs=[pl.BlockSpec((ROWT, D), lambda i: (i, 0)),
              pl.BlockSpec((D, D), lambda i: (0, 0)),
              pl.BlockSpec((2, ROWT, 8), lambda i: (0, i, 0))],
    out_specs=[pl.BlockSpec((2, ROWT, 128), lambda i: (0, i, 0)),
               pl.BlockSpec((ROWT, 1), lambda i: (i, 0))],
    out_shape=[jax.ShapeDtypeStruct((2, N, 128), F32),
               jax.ShapeDtypeStruct((N, 1), F32)],
)


def _bcos1_body(agg_ref, y1_ref, dv_ref, wb_ref, w2_ref, z_ref, s_ref, y2_ref):
    a = jnp.concatenate([agg_ref[0], agg_ref[1]], axis=1)
    yy = jnp.concatenate([y1_ref[0], y1_ref[1]], axis=1)
    dv = dv_ref[...]
    z = dv * (a + yy)
    z_ref[...] = z
    rn = jnp.maximum(jnp.sqrt(jnp.sum(z * z, axis=1, keepdims=True)), 1e-12)
    wb = wb_ref[...]
    wn = jnp.maximum(jnp.sqrt(jnp.sum(wb * wb, axis=1)), 1e-12)
    lin = lax.dot_general(z, wb, (((1,), (1,)), ((), ())),
                          preferred_element_type=F32)
    sc = jnp.maximum(lin / (rn * wn[None, :]), 1e-6)
    s_ref[...] = sc
    h = jnp.maximum(lin * sc, 0.0)
    hw = lax.dot_general(h, w2_ref[...], (((1,), (1,)), ((), ())),
                         preferred_element_type=F32)
    y2 = dv * hw
    y2_ref[0] = y2[:, :128]
    y2_ref[1] = y2[:, 128:]


_bcos1 = pl.pallas_call(
    _bcos1_body,
    grid=(GRID,),
    in_specs=[pl.BlockSpec((2, ROWT, 128), lambda i: (0, i, 0)),
              pl.BlockSpec((2, ROWT, 128), lambda i: (0, i, 0)),
              pl.BlockSpec((ROWT, 1), lambda i: (i, 0)),
              pl.BlockSpec((D, D), lambda i: (0, 0)),
              pl.BlockSpec((D, D), lambda i: (0, 0))],
    out_specs=[pl.BlockSpec((ROWT, D), lambda i: (i, 0)),
               pl.BlockSpec((ROWT, D), lambda i: (i, 0)),
               pl.BlockSpec((2, ROWT, 128), lambda i: (0, i, 0))],
    out_shape=[jax.ShapeDtypeStruct((N, D), F32),
               jax.ShapeDtypeStruct((N, D), F32),
               jax.ShapeDtypeStruct((2, N, 128), F32)],
)


def _bcos2_body(agg_ref, y2_ref, dv_ref, wb_ref, z_ref, s_ref, o_ref):
    a = jnp.concatenate([agg_ref[0], agg_ref[1]], axis=1)
    yy = jnp.concatenate([y2_ref[0], y2_ref[1]], axis=1)
    dv = dv_ref[...]
    z = dv * (a + yy)
    z_ref[...] = z
    rn = jnp.maximum(jnp.sqrt(jnp.sum(z * z, axis=1, keepdims=True)), 1e-12)
    wb = wb_ref[...]
    wn = jnp.maximum(jnp.sqrt(jnp.sum(wb * wb, axis=1)), 1e-12)
    lin = lax.dot_general(z, wb, (((1,), (1,)), ((), ())),
                          preferred_element_type=F32)
    sc = jnp.maximum(lin / (rn * wn[None, :]), 1e-6)
    s_ref[...] = sc
    o_ref[...] = lin * sc


_bcos2 = pl.pallas_call(
    _bcos2_body,
    grid=(GRID,),
    in_specs=[pl.BlockSpec((2, ROWT, 128), lambda i: (0, i, 0)),
              pl.BlockSpec((2, ROWT, 128), lambda i: (0, i, 0)),
              pl.BlockSpec((ROWT, 1), lambda i: (i, 0)),
              pl.BlockSpec((128, D), lambda i: (0, 0))],
    out_specs=[pl.BlockSpec((ROWT, D), lambda i: (i, 0)),
               pl.BlockSpec((ROWT, 128), lambda i: (i, 0)),
               pl.BlockSpec((ROWT, 128), lambda i: (i, 0))],
    out_shape=[jax.ShapeDtypeStruct((N, D), F32),
               jax.ShapeDtypeStruct((N, 128), F32),
               jax.ShapeDtypeStruct((N, 128), F32)],
)


def kernel(x, edge_index, W1, W2, Wb1, Wb2):
    src = edge_index[0].astype(jnp.int32)
    dst = edge_index[1].astype(jnp.int32)
    src_p = jnp.concatenate([src, jnp.zeros((EPAD - E,), jnp.int32)])
    dst_p = jnp.concatenate([dst, jnp.full((EPAD - E,), N, jnp.int32)])
    srcs2 = jnp.stack([src_p, src_p + N]).reshape(2, 16, NCHK, CHK)
    dst_agg = dst_p.reshape(16, NCHK, CHK)
    dst_deg = dst_p.reshape(32, NCH_DEG, CHK)
    zrows = jnp.zeros((NROW, 128), F32)
    zrows8 = jnp.zeros((NROW, 8), F32)
    ones8 = jnp.concatenate(
        [jnp.ones((CHK, 1), F32), jnp.zeros((CHK, 7), F32)], axis=1)

    hist8 = _deg()(dst_deg, zrows8, ones8)
    y1, dinv = _mm1s(x, W1, hist8)
    agg1 = _agg()(y1.reshape(2 * N, 128), srcs2, dst_agg, zrows)
    z1, s1, y2 = _bcos1(agg1, y1, dinv, Wb1, W2)
    agg2 = _agg()(y2.reshape(2 * N, 128), srcs2, dst_agg, zrows)
    z2, s2, out = _bcos2(agg2, y2, dinv, Wb2)
    return (out, z1, z2, s1, s2)

# --- scband reference (transcript-rebuilt; emitter-appended) ---
"""Pipeline reference for scband-bcos-gcn-36429912604734 (READ-ONLY COPY).

The authoritative reference and input builder live on the scoring server;
editing this copy changes nothing except your own understanding.
"""

import jax, jax.numpy as jnp
import numpy as np

N = 10000
E = 160000
IN_DIM = 256
HIDDEN = 256
OUT_DIM = 128
B = 2.0


def _gcn_conv(x, edge_index, W):
    # PyG GCNConv (bias=False): out = D^{-1/2} (A + I) D^{-1/2} (x @ W^T)
    n = x.shape[0]
    loop = jnp.arange(n, dtype=edge_index.dtype)
    src = jnp.concatenate([edge_index[0], loop])
    dst = jnp.concatenate([edge_index[1], loop])
    deg = jnp.zeros((n,), x.dtype).at[dst].add(1.0)
    dinv = jnp.where(deg > 0, deg ** -0.5, 0.0)
    norm = dinv[src] * dinv[dst]
    xw = x @ W.T
    msg = xw[src] * norm[:, None]
    return jnp.zeros((n, W.shape[0]), x.dtype).at[dst].add(msg)


def _l2norm(a):
    return a / jnp.maximum(jnp.linalg.norm(a, axis=1, keepdims=True), 1e-12)


def _bcos(z, w, b):
    lin = z @ w.T
    cos = jnp.maximum(_l2norm(z) @ _l2norm(w).T, 1e-6)
    scale = jnp.abs(cos) ** (b - 1.0)
    return lin * scale, scale


def setup_inputs(seed: int = 0) -> dict:
    key = jax.random.key(seed)
    k1, k2, k3, k4, k5, k6 = jax.random.split(key, 6)
    x = jax.random.normal(k1, (N, IN_DIM), dtype=jnp.float32)
    edge_index = jax.random.randint(k2, (2, E), 0, N, dtype=jnp.int32)
    W1 = jax.random.normal(k3, (HIDDEN, IN_DIM), dtype=jnp.float32) * (1.0 / np.sqrt(IN_DIM))
    W2 = jax.random.normal(k4, (HIDDEN, HIDDEN), dtype=jnp.float32) * (1.0 / np.sqrt(HIDDEN))
    Wb1 = jax.random.normal(k5, (HIDDEN, HIDDEN), dtype=jnp.float32)
    Wb2 = jax.random.normal(k6, (OUT_DIM, HIDDEN), dtype=jnp.float32)
    return {"x": x, "edge_index": edge_index, "W1": W1, "W2": W2, "Wb1": Wb1, "Wb2": Wb2}


def reference(x, edge_index, W1, W2, Wb1, Wb2):
    z1 = _gcn_conv(x, edge_index, W1)
    h1, s1 = _bcos(z1, Wb1, B)
    h1 = jax.nn.relu(h1)
    z2 = _gcn_conv(h1, edge_index, W2)
    out, s2 = _bcos(z2, Wb2, B)
    # original returns (out, {'z': (z1, z2), 'scale': (s1, s2)}) with detached aux
    return (out, z1, z2, s1, s2)

if __name__ == "__main__":
    import jax
    _d = setup_inputs()
    print(jax.jit(kernel)(*tuple(_d.values())))

</pallas_src>

<mosaic_0001>
#map = affine_map<(d0, d1) -> (0, 0, 0)>
#map1 = affine_map<(d0, d1) -> (0, 0)>
module attributes {stable_mosaic.version = 14 : i64} {
  func.func @_deg_body(%arg0: i32, %arg1: i32, %arg2: memref<32x40x128xi32, #tpu.memory_space<hbm>>, %arg3: memref<10240x8xf32, #tpu.memory_space<hbm>>, %arg4: memref<128x8xf32, #tpu.memory_space<hbm>>, %arg5: memref<2x10240x8xf32, #tpu.memory_space<hbm>>, %arg6: memref<10240x8xf32, #tpu.memory_space<vmem_shared>>, %arg7: memref<128x8xf32, #tpu.memory_space<vmem>>, %arg8: memref<128xi32, #tpu.memory_space<vmem>>, %arg9: memref<128xi32, #tpu.memory_space<vmem>>, %arg10: memref<128xi32, #tpu.memory_space<vmem>>, %arg11: memref<128xi32, #tpu.memory_space<vmem>>, %arg12: memref<!tpu.dma_semaphore, #tpu.memory_space<semaphore_mem>>, %arg13: memref<!tpu.dma_semaphore, #tpu.memory_space<semaphore_mem>>, %arg14: memref<!tpu.dma_semaphore, #tpu.memory_space<semaphore_mem>>, %arg15: memref<!tpu.dma_semaphore, #tpu.memory_space<semaphore_mem>>) attributes {dimension_semantics = [#tpu.dimension_semantics<core_parallel>, #tpu.dimension_semantics<subcore_parallel>], iteration_bounds = array<i64: 2, 16>, scalar_prefetch = 0 : i64, scratch_operands = 10 : i64, tpu.core_type = #tpu.core_type<sc_vector_subcore>, window_params = [{transform_indices = #map}, {transform_indices = #map1}, {transform_indices = #map1}, {transform_indices = #map}]} {
    %mul3A = arith.constant 16 : i32
    %mul3A_0 = arith.muli %arg0, %mul3A : i32
    %add3A = arith.addi %mul3A_0, %arg1 : i32
    "tpu.region"() ({
      %run_scoped3A = tpu.sem_alloc : memref<!tpu.dma_semaphore, #tpu.memory_space<semaphore_mem>>
      tpu.enqueue_dma source(%arg4 : memref<128x8xf32, #tpu.memory_space<hbm>>) target(%arg7 : memref<128x8xf32, #tpu.memory_space<vmem>>) target_semaphore(%run_scoped3A : memref<!tpu.dma_semaphore, #tpu.memory_space<semaphore_mem>>)
      tpu.wait_dma2 semaphore(%run_scoped3A : memref<!tpu.dma_semaphore, #tpu.memory_space<semaphore_mem>>) src(%arg4 : memref<128x8xf32, #tpu.memory_space<hbm>>) dst(%arg7 : memref<128x8xf32, #tpu.memory_space<vmem>>)
      tpu.yield
    }) : () -> ()
    %mul3A_1 = arith.constant 640 : i32
    %mul3A_2 = arith.muli %arg1, %mul3A_1 : i32
    "tpu.region"() ({
      %run_scoped3A = tpu.sem_alloc : memref<!tpu.dma_semaphore, #tpu.memory_space<semaphore_mem>>
      %dma_start3A_21 = arith.constant 0 : i32
      %dma_start3A_22 = tpu.memref_slice %arg6[%mul3A_2, %dma_start3A_21] : memref<10240x8xf32, #tpu.memory_space<vmem_shared>> -> memref<640x8xf32, #tpu.memory_space<vmem_shared>>
      %dma_start3A_23 = arith.constant 0 : i32
      %dma_start3A_24 = tpu.memref_slice %arg3[%mul3A_2, %dma_start3A_23] : memref<10240x8xf32, #tpu.memory_space<hbm>> -> memref<640x8xf32, #tpu.memory_space<hbm>>
      tpu.enqueue_dma source(%dma_start3A_24 : memref<640x8xf32, #tpu.memory_space<hbm>>) target(%dma_start3A_22 : memref<640x8xf32, #tpu.memory_space<vmem_shared>>) target_semaphore(%run_scoped3A : memref<!tpu.dma_semaphore, #tpu.memory_space<semaphore_mem>>)
      %dma_wait3A = arith.constant 0 : i32
      %dma_wait3A_25 = tpu.memref_slice %arg6[%mul3A_2, %dma_wait3A] : memref<10240x8xf32, #tpu.memory_space<vmem_shared>> -> memref<640x8xf32, #tpu.memory_space<vmem_shared>>
      %dma_wait3A_26 = arith.constant 0 : i32
      %dma_wait3A_27 = tpu.memref_slice %arg3[%mul3A_2, %dma_wait3A_26] : memref<10240x8xf32, #tpu.memory_space<hbm>> -> memref<640x8xf32, #tpu.memory_space<hbm>>
      tpu.wait_dma2 semaphore(%run_scoped3A : memref<!tpu.dma_semaphore, #tpu.memory_space<semaphore_mem>>) src(%dma_wait3A_27 : memref<640x8xf32, #tpu.memory_space<hbm>>) dst(%dma_wait3A_25 : memref<640x8xf32, #tpu.memory_space<vmem_shared>>)
      tpu.yield
    }) : () -> ()
    %dma_start3A = arith.constant 0 : i32
    %dma_start3A_3 = arith.constant 0 : i32
    %dma_start3A_4 = tpu.memref_slice %arg2[%add3A, %dma_start3A, %dma_start3A_3] : memref<32x40x128xi32, #tpu.memory_space<hbm>> -> memref<1x1x128xi32, #tpu.memory_space<hbm>>
    %dma_start3A_5 = tpu.memref_squeeze %dma_start3A_4 : memref<1x1x128xi32, #tpu.memory_space<hbm>> -> memref<128xi32, #tpu.memory_space<hbm>>
    %dma_start3A_6 = arith.constant 0 : i32
    %dma_start3A_7 = tpu.memref_slice %arg2[%add3A, %dma_start3A, %dma_start3A_6] : memref<32x40x128xi32, #tpu.memory_space<hbm>> -> memref<1x1x128xi32, #tpu.memory_space<hbm>>
    %dma_start3A_8 = tpu.memref_squeeze %dma_start3A_7 : memref<1x1x128xi32, #tpu.memory_space<hbm>> -> memref<128xi32, #tpu.memory_space<hbm>>
    tpu.enqueue_dma source(%dma_start3A_8 : memref<128xi32, #tpu.memory_space<hbm>>) target(%arg8 : memref<128xi32, #tpu.memory_space<vmem>>) target_semaphore(%arg12 : memref<!tpu.dma_semaphore, #tpu.memory_space<semaphore_mem>>)
    %dma_start3A_9 = arith.constant 1 : i32
    %dma_start3A_10 = arith.constant 0 : i32
    %dma_start3A_11 = tpu.memref_slice %arg2[%add3A, %dma_start3A_9, %dma_start3A_10] : memref<32x40x128xi32, #tpu.memory_space<hbm>> -> memref<1x1x128xi32, #tpu.memory_space<hbm>>
    %dma_start3A_12 = tpu.memref_squeeze %dma_start3A_11 : memref<1x1x128xi32, #tpu.memory_space<hbm>> -> memref<128xi32, #tpu.memory_space<hbm>>
    %dma_start3A_13 = arith.constant 0 : i32
    %dma_start3A_14 = tpu.memref_slice %arg2[%add3A, %dma_start3A_9, %dma_start3A_13] : memref<32x40x128xi32, #tpu.memory_space<hbm>> -> memref<1x1x128xi32, #tpu.memory_space<hbm>>
    %dma_start3A_15 = tpu.memref_squeeze %dma_start3A_14 : memref<1x1x128xi32, #tpu.memory_space<hbm>> -> memref<128xi32, #tpu.memory_space<hbm>>
    tpu.enqueue_dma source(%dma_start3A_15 : memref<128xi32, #tpu.memory_space<hbm>>) target(%arg9 : memref<128xi32, #tpu.memory_space<vmem>>) target_semaphore(%arg13 : memref<!tpu.dma_semaphore, #tpu.memory_space<semaphore_mem>>)
    %barrier3A = arith.constant 0 : index
    tpu.barrier barrier_id(%barrier3A)
    %scan3A = arith.constant 0 : i32
    %scan3A_16 = arith.constant 10 : i32
    %scan3A_17 = arith.addi %scan3A, %scan3A_16 : i32
    %scan3A_18 = arith.constant 1 : i32
    scf.for %scan3A_21 = %scan3A to %scan3A_17 step %scan3A_18  : i32 {
      %mul3A_22 = arith.constant 1 : i32
      %mul3A_23 = arith.muli %scan3A_21, %mul3A_22 : i32
      %add3A_24 = arith.constant 0 : i32
      %add3A_25 = arith.addi %add3A_24, %mul3A_23 : i32
      %mul3A_26 = arith.constant 4 : i32
      %mul3A_27 = arith.muli %mul3A_26, %add3A_25 : i32
      %add3A_28 = arith.constant 0 : i32
      %add3A_29 = arith.addi %mul3A_27, %add3A_28 : i32
      %add3A_30 = arith.constant 2 : i32
      %add3A_31 = arith.addi %add3A_29, %add3A_30 : i32
      %lt3A = arith.constant 40 : i32
      %lt3A_32 = arith.cmpi slt, %add3A_31, %lt3A : i32
      %convert_element_type3A = arith.extui %lt3A_32 : i1 to i32
      %cond3A = arith.constant 0 : i32
      %cond3A_33 = arith.cmpi ne, %convert_element_type3A, %cond3A : i32
      scf.if %cond3A_33 {
        %add3A_90 = arith.constant 2 : i32
        %add3A_91 = arith.addi %add3A_29, %add3A_90 : i32
        %dma_start3A_92 = arith.constant 0 : i32
        %dma_start3A_93 = tpu.memref_slice %arg2[%add3A, %add3A_91, %dma_start3A_92] : memref<32x40x128xi32, #tpu.memory_space<hbm>> -> memref<1x1x128xi32, #tpu.memory_space<hbm>>
        %dma_start3A_94 = tpu.memref_squeeze %dma_start3A_93 : memref<1x1x128xi32, #tpu.memory_space<hbm>> -> memref<128xi32, #tpu.memory_space<hbm>>
        %dma_start3A_95 = arith.constant 0 : i32
        %dma_start3A_96 = tpu.memref_slice %arg2[%add3A, %add3A_91, %dma_start3A_95] : memref<32x40x128xi32, #tpu.memory_space<hbm>> -> memref<1x1x128xi32, #tpu.memory_space<hbm>>
        %dma_start3A_97 = tpu.memref_squeeze %dma_start3A_96 : memref<1x1x128xi32, #tpu.memory_space<hbm>> -> memref<128xi32, #tpu.memory_space<hbm>>
        tpu.enqueue_dma source(%dma_start3A_97 : memref<128xi32, #tpu.memory_space<hbm>>) target(%arg10 : memref<128xi32, #tpu.memory_space<vmem>>) target_semaphore(%arg14 : memref<!tpu.dma_semaphore, #tpu.memory_space<semaphore_mem>>)
      } else {
      }
      %dma_wait3A = arith.constant 0 : i32
      %dma_wait3A_34 = tpu.memref_slice %arg2[%add3A, %add3A_29, %dma_wait3A] : memref<32x40x128xi32, #tpu.memory_space<hbm>> -> memref<1x1x128xi32, #tpu.memory_space<hbm>>
      %dma_wait3A_35 = tpu.memref_squeeze %dma_wait3A_34 : memref<1x1x128xi32, #tpu.memory_space<hbm>> -> memref<128xi32, #tpu.memory_space<hbm>>
      %dma_wait3A_36 = arith.constant 0 : i32
      %dma_wait3A_37 = tpu.memref_slice %arg2[%add3A, %add3A_29, %dma_wait3A_36] : memref<32x40x128xi32, #tpu.memory_space<hbm>> -> memref<1x1x128xi32, #tpu.memory_space<hbm>>
      %dma_wait3A_38 = tpu.memref_squeeze %dma_wait3A_37 : memref<1x1x128xi32, #tpu.memory_space<hbm>> -> memref<128xi32, #tpu.memory_space<hbm>>
      tpu.wait_dma2 semaphore(%arg12 : memref<!tpu.dma_semaphore, #tpu.memory_space<semaphore_mem>>) src(%dma_wait3A_38 : memref<128xi32, #tpu.memory_space<hbm>>) dst(%arg8 : memref<128xi32, #tpu.memory_space<vmem>>)
      "tpu.region"() ({
        %run_scoped3A = tpu.sem_alloc : memref<!tpu.dma_semaphore, #tpu.memory_space<semaphore_mem>>
        %dma_start3A_90 = arith.constant 0 : i32
        %dma_start3A_91 = arith.constant 0 : i32
        %dma_start3A_92 = tpu.memref_slice %arg6[%dma_start3A_90, %dma_start3A_91] : memref<10240x8xf32, #tpu.memory_space<vmem_shared>> -> memref<10240x8xf32, #tpu.memory_space<vmem_shared>>
        tpu.enqueue_indirect_dma source(%arg7 : memref<128x8xf32, #tpu.memory_space<vmem>>) target(%dma_start3A_92 : memref<10240x8xf32, #tpu.memory_space<vmem_shared>>) offsets(%arg8 : memref<128xi32, #tpu.memory_space<vmem>>) semaphore(%run_scoped3A : memref<!tpu.dma_semaphore, #tpu.memory_space<semaphore_mem>>) {add = true}
        %dma_wait3A_93 = arith.constant 0 : i32
        %dma_wait3A_94 = arith.constant 0 : i32
        %dma_wait3A_95 = tpu.memref_slice %arg6[%dma_wait3A_93, %dma_wait3A_94] : memref<10240x8xf32, #tpu.memory_space<vmem_shared>> -> memref<10240x8xf32, #tpu.memory_space<vmem_shared>>
        tpu.wait_indirect_dma semaphore(%run_scoped3A : memref<!tpu.dma_semaphore, #tpu.memory_space<semaphore_mem>>) src(%arg7 : memref<128x8xf32, #tpu.memory_space<vmem>>) dst(%dma_wait3A_95 : memref<10240x8xf32, #tpu.memory_space<vmem_shared>>)
        tpu.yield
      }) : () -> ()
      %mul3A_39 = arith.constant 4 : i32
      %mul3A_40 = arith.muli %mul3A_39, %add3A_25 : i32
      %add3A_41 = arith.constant 1 : i32
      %add3A_42 = arith.addi %mul3A_40, %add3A_41 : i32
      %add3A_43 = arith.constant 2 : i32
      %add3A_44 = arith.addi %add3A_42, %add3A_43 : i32
      %lt3A_45 = arith.constant 40 : i32
      %lt3A_46 = arith.cmpi slt, %add3A_44, %lt3A_45 : i32
      %convert_element_type3A_47 = arith.extui %lt3A_46 : i1 to i32
      %cond3A_48 = arith.constant 0 : i32
      %cond3A_49 = arith.cmpi ne, %convert_element_type3A_47, %cond3A_48 : i32
      scf.if %cond3A_49 {
        %add3A_90 = arith.constant 2 : i32
        %add3A_91 = arith.addi %add3A_42, %add3A_90 : i32
        %dma_start3A_92 = arith.constant 0 : i32
        %dma_start3A_93 = tpu.memref_slice %arg2[%add3A, %add3A_91, %dma_start3A_92] : memref<32x40x128xi32, #tpu.memory_space<hbm>> -> memref<1x1x128xi32, #tpu.memory_space<hbm>>
        %dma_start3A_94 = tpu.memref_squeeze %dma_start3A_93 : memref<1x1x128xi32, #tpu.memory_space<hbm>> -> memref<128xi32, #tpu.memory_space<hbm>>
        %dma_start3A_95 = arith.constant 0 : i32
        %dma_start3A_96 = tpu.memref_slice %arg2[%add3A, %add3A_91, %dma_start3A_95] : memref<32x40x128xi32, #tpu.memory_space<hbm>> -> memref<1x1x128xi32, #tpu.memory_space<hbm>>
        %dma_start3A_97 = tpu.memref_squeeze %dma_start3A_96 : memref<1x1x128xi32, #tpu.memory_space<hbm>> -> memref<128xi32, #tpu.memory_space<hbm>>
        tpu.enqueue_dma source(%dma_start3A_97 : memref<128xi32, #tpu.memory_space<hbm>>) target(%arg11 : memref<128xi32, #tpu.memory_space<vmem>>) target_semaphore(%arg15 : memref<!tpu.dma_semaphore, #tpu.memory_space<semaphore_mem>>)
      } else {
      }
      %dma_wait3A_50 = arith.constant 0 : i32
      %dma_wait3A_51 = tpu.memref_slice %arg2[%add3A, %add3A_42, %dma_wait3A_50] : memref<32x40x128xi32, #tpu.memory_space<hbm>> -> memref<1x1x128xi32, #tpu.memory_space<hbm>>
      %dma_wait3A_52 = tpu.memref_squeeze %dma_wait3A_51 : memref<1x1x128xi32, #tpu.memory_space<hbm>> -> memref<128xi32, #tpu.memory_space<hbm>>
      %dma_wait3A_53 = arith.constant 0 : i32
      %dma_wait3A_54 = tpu.memref_slice %arg2[%add3A, %add3A_42, %dma_wait3A_53] : memref<32x40x128xi32, #tpu.memory_space<hbm>> -> memref<1x1x128xi32, #tpu.memory_space<hbm>>
      %dma_wait3A_55 = tpu.memref_squeeze %dma_wait3A_54 : memref<1x1x128xi32, #tpu.memory_space<hbm>> -> memref<128xi32, #tpu.memory_space<hbm>>
      tpu.wait_dma2 semaphore(%arg13 : memref<!tpu.dma_semaphore, #tpu.memory_space<semaphore_mem>>) src(%dma_wait3A_55 : memref<128xi32, #tpu.memory_space<hbm>>) dst(%arg9 : memref<128xi32, #tpu.memory_space<vmem>>)
      "tpu.region"() ({
        %run_scoped3A = tpu.sem_alloc : memref<!tpu.dma_semaphore, #tpu.memory_space<semaphore_mem>>
        %dma_start3A_90 = arith.constant 0 : i32
        %dma_start3A_91 = arith.constant 0 : i32
        %dma_start3A_92 = tpu.memref_slice %arg6[%dma_start3A_90, %dma_start3A_91] : memref<10240x8xf32, #tpu.memory_space<vmem_shared>> -> memref<10240x8xf32, #tpu.memory_space<vmem_shared>>
        tpu.enqueue_indirect_dma source(%arg7 : memref<128x8xf32, #tpu.memory_space<vmem>>) target(%dma_start3A_92 : memref<10240x8xf32, #tpu.memory_space<vmem_shared>>) offsets(%arg9 : memref<128xi32, #tpu.memory_space<vmem>>) semaphore(%run_scoped3A : memref<!tpu.dma_semaphore, #tpu.memory_space<semaphore_mem>>) {add = true}
        %dma_wait3A_93 = arith.constant 0 : i32
        %dma_wait3A_94 = arith.constant 0 : i32
        %dma_wait3A_95 = tpu.memref_slice %arg6[%dma_wait3A_93, %dma_wait3A_94] : memref<10240x8xf32, #tpu.memory_space<vmem_shared>> -> memref<10240x8xf32, #tpu.memory_space<vmem_shared>>
        tpu.wait_indirect_dma semaphore(%run_scoped3A : memref<!tpu.dma_semaphore, #tpu.memory_space<semaphore_mem>>) src(%arg7 : memref<128x8xf32, #tpu.memory_space<vmem>>) dst(%dma_wait3A_95 : memref<10240x8xf32, #tpu.memory_space<vmem_shared>>)
        tpu.yield
      }) : () -> ()
      %mul3A_56 = arith.constant 4 : i32
      %mul3A_57 = arith.muli %mul3A_56, %add3A_25 : i32
      %add3A_58 = arith.constant 2 : i32
      %add3A_59 = arith.addi %mul3A_57, %add3A_58 : i32
      %add3A_60 = arith.constant 2 : i32
      %add3A_61 = arith.addi %add3A_59, %add3A_60 : i32
      %lt3A_62 = arith.constant 40 : i32
      %lt3A_63 = arith.cmpi slt, %add3A_61, %lt3A_62 : i32
      %convert_element_type3A_64 = arith.extui %lt3A_63 : i1 to i32
      %cond3A_65 = arith.constant 0 : i32
      %cond3A_66 = arith.cmpi ne, %convert_element_type3A_64, %cond3A_65 : i32
      scf.if %cond3A_66 {
        %add3A_90 = arith.constant 2 : i32
        %add3A_91 = arith.addi %add3A_59, %add3A_90 : i32
        %dma_start3A_92 = arith.constant 0 : i32
        %dma_start3A_93 = tpu.memref_slice %arg2[%add3A, %add3A_91, %dma_start3A_92] : memref<32x40x128xi32, #tpu.memory_space<hbm>> -> memref<1x1x128xi32, #tpu.memory_space<hbm>>
        %dma_start3A_94 = tpu.memref_squeeze %dma_start3A_93 : memref<1x1x128xi32, #tpu.memory_space<hbm>> -> memref<128xi32, #tpu.memory_space<hbm>>
        %dma_start3A_95 = arith.constant 0 : i32
        %dma_start3A_96 = tpu.memref_slice %arg2[%add3A, %add3A_91, %dma_start3A_95] : memref<32x40x128xi32, #tpu.memory_space<hbm>> -> memref<1x1x128xi32, #tpu.memory_space<hbm>>
        %dma_start3A_97 = tpu.memref_squeeze %dma_start3A_96 : memref<1x1x128xi32, #tpu.memory_space<hbm>> -> memref<128xi32, #tpu.memory_space<hbm>>
        tpu.enqueue_dma source(%dma_start3A_97 : memref<128xi32, #tpu.memory_space<hbm>>) target(%arg8 : memref<128xi32, #tpu.memory_space<vmem>>) target_semaphore(%arg12 : memref<!tpu.dma_semaphore, #tpu.memory_space<semaphore_mem>>)
      } else {
      }
      %dma_wait3A_67 = arith.constant 0 : i32
      %dma_wait3A_68 = tpu.memref_slice %arg2[%add3A, %add3A_59, %dma_wait3A_67] : memref<32x40x128xi32, #tpu.memory_space<hbm>> -> memref<1x1x128xi32, #tpu.memory_space<hbm>>
      %dma_wait3A_69 = tpu.memref_squeeze %dma_wait3A_68 : memref<1x1x128xi32, #tpu.memory_space<hbm>> -> memref<128xi32, #tpu.memory_space<hbm>>
      %dma_wait3A_70 = arith.constant 0 : i32
      %dma_wait3A_71 = tpu.memref_slice %arg2[%add3A, %add3A_59, %dma_wait3A_70] : memref<32x40x128xi32, #tpu.memory_space<hbm>> -> memref<1x1x128xi32, #tpu.memory_space<hbm>>
      %dma_wait3A_72 = tpu.memref_squeeze %dma_wait3A_71 : memref<1x1x128xi32, #tpu.memory_space<hbm>> -> memref<128xi32, #tpu.memory_space<hbm>>
      tpu.wait_dma2 semaphore(%arg14 : memref<!tpu.dma_semaphore, #tpu.memory_space<semaphore_mem>>) src(%dma_wait3A_72 : memref<128xi32, #tpu.memory_space<hbm>>) dst(%arg10 : memref<128xi32, #tpu.memory_space<vmem>>)
      "tpu.region"() ({
        %run_scoped3A = tpu.sem_alloc : memref<!tpu.dma_semaphore, #tpu.memory_space<semaphore_mem>>
        %dma_start3A_90 = arith.constant 0 : i32
        %dma_start3A_91 = arith.constant 0 : i32
        %dma_start3A_92 = tpu.memref_slice %arg6[%dma_start3A_90, %dma_start3A_91] : memref<10240x8xf32, #tpu.memory_space<vmem_shared>> -> memref<10240x8xf32, #tpu.memory_space<vmem_shared>>
        tpu.enqueue_indirect_dma source(%arg7 : memref<128x8xf32, #tpu.memory_space<vmem>>) target(%dma_start3A_92 : memref<10240x8xf32, #tpu.memory_space<vmem_shared>>) offsets(%arg10 : memref<128xi32, #tpu.memory_space<vmem>>) semaphore(%run_scoped3A : memref<!tpu.dma_semaphore, #tpu.memory_space<semaphore_mem>>) {add = true}
        %dma_wait3A_93 = arith.constant 0 : i32
        %dma_wait3A_94 = arith.constant 0 : i32
        %dma_wait3A_95 = tpu.memref_slice %arg6[%dma_wait3A_93, %dma_wait3A_94] : memref<10240x8xf32, #tpu.memory_space<vmem_shared>> -> memref<10240x8xf32, #tpu.memory_space<vmem_shared>>
        tpu.wait_indirect_dma semaphore(%run_scoped3A : memref<!tpu.dma_semaphore, #tpu.memory_space<semaphore_mem>>) src(%arg7 : memref<128x8xf32, #tpu.memory_space<vmem>>) dst(%dma_wait3A_95 : memref<10240x8xf32, #tpu.memory_space<vmem_shared>>)
        tpu.yield
      }) : () -> ()
      %mul3A_73 = arith.constant 4 : i32
      %mul3A_74 = arith.muli %mul3A_73, %add3A_25 : i32
      %add3A_75 = arith.constant 3 : i32
      %add3A_76 = arith.addi %mul3A_74, %add3A_75 : i32
      %add3A_77 = arith.constant 2 : i32
      %add3A_78 = arith.addi %add3A_76, %add3A_77 : i32
      %lt3A_79 = arith.constant 40 : i32
      %lt3A_80 = arith.cmpi slt, %add3A_78, %lt3A_79 : i32
      %convert_element_type3A_81 = arith.extui %lt3A_80 : i1 to i32
      %cond3A_82 = arith.constant 0 : i32
      %cond3A_83 = arith.cmpi ne, %convert_element_type3A_81, %cond3A_82 : i32
      scf.if %cond3A_83 {
        %add3A_90 = arith.constant 2 : i32
        %add3A_91 = arith.addi %add3A_76, %add3A_90 : i32
        %dma_start3A_92 = arith.constant 0 : i32
        %dma_start3A_93 = tpu.memref_slice %arg2[%add3A, %add3A_91, %dma_start3A_92] : memref<32x40x128xi32, #tpu.memory_space<hbm>> -> memref<1x1x128xi32, #tpu.memory_space<hbm>>
        %dma_start3A_94 = tpu.memref_squeeze %dma_start3A_93 : memref<1x1x128xi32, #tpu.memory_space<hbm>> -> memref<128xi32, #tpu.memory_space<hbm>>
        %dma_start3A_95 = arith.constant 0 : i32
        %dma_start3A_96 = tpu.memref_slice %arg2[%add3A, %add3A_91, %dma_start3A_95] : memref<32x40x128xi32, #tpu.memory_space<hbm>> -> memref<1x1x128xi32, #tpu.memory_space<hbm>>
        %dma_start3A_97 = tpu.memref_squeeze %dma_start3A_96 : memref<1x1x128xi32, #tpu.memory_space<hbm>> -> memref<128xi32, #tpu.memory_space<hbm>>
        tpu.enqueue_dma source(%dma_start3A_97 : memref<128xi32, #tpu.memory_space<hbm>>) target(%arg9 : memref<128xi32, #tpu.memory_space<vmem>>) target_semaphore(%arg13 : memref<!tpu.dma_semaphore, #tpu.memory_space<semaphore_mem>>)
      } else {
      }
      %dma_wait3A_84 = arith.constant 0 : i32
      %dma_wait3A_85 = tpu.memref_slice %arg2[%add3A, %add3A_76, %dma_wait3A_84] : memref<32x40x128xi32, #tpu.memory_space<hbm>> -> memref<1x1x128xi32, #tpu.memory_space<hbm>>
      %dma_wait3A_86 = tpu.memref_squeeze %dma_wait3A_85 : memref<1x1x128xi32, #tpu.memory_space<hbm>> -> memref<128xi32, #tpu.memory_space<hbm>>
      %dma_wait3A_87 = arith.constant 0 : i32
      %dma_wait3A_88 = tpu.memref_slice %arg2[%add3A, %add3A_76, %dma_wait3A_87] : memref<32x40x128xi32, #tpu.memory_space<hbm>> -> memref<1x1x128xi32, #tpu.memory_space<hbm>>
      %dma_wait3A_89 = tpu.memref_squeeze %dma_wait3A_88 : memref<1x1x128xi32, #tpu.memory_space<hbm>> -> memref<128xi32, #tpu.memory_space<hbm>>
      tpu.wait_dma2 semaphore(%arg15 : memref<!tpu.dma_semaphore, #tpu.memory_space<semaphore_mem>>) src(%dma_wait3A_89 : memref<128xi32, #tpu.memory_space<hbm>>) dst(%arg11 : memref<128xi32, #tpu.memory_space<vmem>>)
      "tpu.region"() ({
        %run_scoped3A = tpu.sem_alloc : memref<!tpu.dma_semaphore, #tpu.memory_space<semaphore_mem>>
        %dma_start3A_90 = arith.constant 0 : i32
        %dma_start3A_91 = arith.constant 0 : i32
        %dma_start3A_92 = tpu.memref_slice %arg6[%dma_start3A_90, %dma_start3A_91] : memref<10240x8xf32, #tpu.memory_space<vmem_shared>> -> memref<10240x8xf32, #tpu.memory_space<vmem_shared>>
        tpu.enqueue_indirect_dma source(%arg7 : memref<128x8xf32, #tpu.memory_space<vmem>>) target(%dma_start3A_92 : memref<10240x8xf32, #tpu.memory_space<vmem_shared>>) offsets(%arg11 : memref<128xi32, #tpu.memory_space<vmem>>) semaphore(%run_scoped3A : memref<!tpu.dma_semaphore, #tpu.memory_space<semaphore_mem>>) {add = true}
        %dma_wait3A_93 = arith.constant 0 : i32
        %dma_wait3A_94 = arith.constant 0 : i32
        %dma_wait3A_95 = tpu.memref_slice %arg6[%dma_wait3A_93, %dma_wait3A_94] : memref<10240x8xf32, #tpu.memory_space<vmem_shared>> -> memref<10240x8xf32, #tpu.memory_space<vmem_shared>>
        tpu.wait_indirect_dma semaphore(%run_scoped3A : memref<!tpu.dma_semaphore, #tpu.memory_space<semaphore_mem>>) src(%arg7 : memref<128x8xf32, #tpu.memory_space<vmem>>) dst(%dma_wait3A_95 : memref<10240x8xf32, #tpu.memory_space<vmem_shared>>)
        tpu.yield
      }) : () -> ()
    }
    %scan3A_19 = arith.constant 10 : i32
    %barrier3A_20 = arith.constant 0 : index
    tpu.barrier barrier_id(%barrier3A_20)
    "tpu.region"() ({
      %run_scoped3A = tpu.sem_alloc : memref<!tpu.dma_semaphore, #tpu.memory_space<semaphore_mem>>
      %dma_start3A_21 = arith.constant 0 : i32
      %dma_start3A_22 = tpu.memref_slice %arg5[%arg0, %mul3A_2, %dma_start3A_21] : memref<2x10240x8xf32, #tpu.memory_space<hbm>> -> memref<1x640x8xf32, #tpu.memory_space<hbm>>
      %dma_start3A_23 = tpu.memref_squeeze %dma_start3A_22 : memref<1x640x8xf32, #tpu.memory_space<hbm>> -> memref<640x8xf32, #tpu.memory_space<hbm>>
      %dma_start3A_24 = arith.constant 0 : i32
      %dma_start3A_25 = tpu.memref_slice %arg6[%mul3A_2, %dma_start3A_24] : memref<10240x8xf32, #tpu.memory_space<vmem_shared>> -> memref<640x8xf32, #tpu.memory_space<vmem_shared>>
      tpu.enqueue_dma source(%dma_start3A_25 : memref<640x8xf32, #tpu.memory_space<vmem_shared>>) target(%dma_start3A_23 : memref<640x8xf32, #tpu.memory_space<hbm>>) target_semaphore(%run_scoped3A : memref<!tpu.dma_semaphore, #tpu.memory_space<semaphore_mem>>)
      %dma_wait3A = arith.constant 0 : i32
      %dma_wait3A_26 = tpu.memref_slice %arg5[%arg0, %mul3A_2, %dma_wait3A] : memref<2x10240x8xf32, #tpu.memory_space<hbm>> -> memref<1x640x8xf32, #tpu.memory_space<hbm>>
      %dma_wait3A_27 = tpu.memref_squeeze %dma_wait3A_26 : memref<1x640x8xf32, #tpu.memory_space<hbm>> -> memref<640x8xf32, #tpu.memory_space<hbm>>
      %dma_wait3A_28 = arith.constant 0 : i32
      %dma_wait3A_29 = tpu.memref_slice %arg6[%mul3A_2, %dma_wait3A_28] : memref<10240x8xf32, #tpu.memory_space<vmem_shared>> -> memref<640x8xf32, #tpu.memory_space<vmem_shared>>
      tpu.wait_dma2 semaphore(%run_scoped3A : memref<!tpu.dma_semaphore, #tpu.memory_space<semaphore_mem>>) src(%dma_wait3A_29 : memref<640x8xf32, #tpu.memory_space<vmem_shared>>) dst(%dma_wait3A_27 : memref<640x8xf32, #tpu.memory_space<hbm>>)
      tpu.yield
    }) : () -> ()
    return
  }
}

#map = affine_map<(d0, d1) -> (0, 0)>
#map1 = affine_map<(d0, d1) -> (0, 0, 0, 0)>
#map2 = affine_map<(d0, d1) -> (0, 0, 0)>
module attributes {stable_mosaic.version = 14 : i64} {
  func.func @_agg_body(%arg0: i32, %arg1: i32, %arg2: memref<20000x128xf32, #tpu.memory_space<hbm>>, %arg3: memref<2x16x80x128xi32, #tpu.memory_space<hbm>>, %arg4: memref<16x80x128xi32, #tpu.memory_space<hbm>>, %arg5: memref<10240x128xf32, #tpu.memory_space<hbm>>, %arg6: memref<2x10240x128xf32, #tpu.memory_space<hbm>>, %arg7: memref<10240x128xf32, #tpu.memory_space<vmem_shared>>, %arg8: memref<80x128xi32, #tpu.memory_space<vmem>>, %arg9: memref<128xi32, #tpu.memory_space<vmem>>, %arg10: memref<128xi32, #tpu.memory_space<vmem>>, %arg11: memref<128x128xf32, #tpu.memory_space<vmem>>, %arg12: memref<128x128xf32, #tpu.memory_space<vmem>>, %arg13: memref<!tpu.dma_semaphore, #tpu.memory_space<semaphore_mem>>, %arg14: memref<!tpu.dma_semaphore, #tpu.memory_space<semaphore_mem>>, %arg15: memref<!tpu.dma_semaphore, #tpu.memory_space<semaphore_mem>>, %arg16: memref<!tpu.dma_semaphore, #tpu.memory_space<semaphore_mem>>) attributes {dimension_semantics = [#tpu.dimension_semantics<core_parallel>, #tpu.dimension_semantics<subcore_parallel>], iteration_bounds = array<i64: 2, 16>, scalar_prefetch = 0 : i64, scratch_operands = 10 : i64, tpu.core_type = #tpu.core_type<sc_vector_subcore>, window_params = [{transform_indices = #map}, {transform_indices = #map1}, {transform_indices = #map2}, {transform_indices = #map}, {transform_indices = #map2}]} {
    "tpu.region"() ({
      %run_scoped3A = tpu.sem_alloc : memref<!tpu.dma_semaphore, #tpu.memory_space<semaphore_mem>>
      %dma_start3A_33 = arith.constant 0 : i32
      %dma_start3A_34 = arith.constant 0 : i32
      %dma_start3A_35 = tpu.memref_slice %arg3[%arg0, %arg1, %dma_start3A_33, %dma_start3A_34] : memref<2x16x80x128xi32, #tpu.memory_space<hbm>> -> memref<1x1x80x128xi32, #tpu.memory_space<hbm>>
      %dma_start3A_36 = tpu.memref_squeeze %dma_start3A_35 : memref<1x1x80x128xi32, #tpu.memory_space<hbm>> -> memref<80x128xi32, #tpu.memory_space<hbm>>
      %dma_start3A_37 = arith.constant 0 : i32
      %dma_start3A_38 = arith.constant 0 : i32
      %dma_start3A_39 = tpu.memref_slice %arg3[%arg0, %arg1, %dma_start3A_37, %dma_start3A_38] : memref<2x16x80x128xi32, #tpu.memory_space<hbm>> -> memref<1x1x80x128xi32, #tpu.memory_space<hbm>>
      %dma_start3A_40 = tpu.memref_squeeze %dma_start3A_39 : memref<1x1x80x128xi32, #tpu.memory_space<hbm>> -> memref<80x128xi32, #tpu.memory_space<hbm>>
      tpu.enqueue_dma source(%dma_start3A_40 : memref<80x128xi32, #tpu.memory_space<hbm>>) target(%arg8 : memref<80x128xi32, #tpu.memory_space<vmem>>) target_semaphore(%run_scoped3A : memref<!tpu.dma_semaphore, #tpu.memory_space<semaphore_mem>>)
      %dma_wait3A = arith.constant 0 : i32
      %dma_wait3A_41 = arith.constant 0 : i32
      %dma_wait3A_42 = tpu.memref_slice %arg3[%arg0, %arg1, %dma_wait3A, %dma_wait3A_41] : memref<2x16x80x128xi32, #tpu.memory_space<hbm>> -> memref<1x1x80x128xi32, #tpu.memory_space<hbm>>
      %dma_wait3A_43 = tpu.memref_squeeze %dma_wait3A_42 : memref<1x1x80x128xi32, #tpu.memory_space<hbm>> -> memref<80x128xi32, #tpu.memory_space<hbm>>
      %dma_wait3A_44 = arith.constant 0 : i32
      %dma_wait3A_45 = arith.constant 0 : i32
      %dma_wait3A_46 = tpu.memref_slice %arg3[%arg0, %arg1, %dma_wait3A_44, %dma_wait3A_45] : memref<2x16x80x128xi32, #tpu.memory_space<hbm>> -> memref<1x1x80x128xi32, #tpu.memory_space<hbm>>
      %dma_wait3A_47 = tpu.memref_squeeze %dma_wait3A_46 : memref<1x1x80x128xi32, #tpu.memory_space<hbm>> -> memref<80x128xi32, #tpu.memory_space<hbm>>
      tpu.wait_dma2 semaphore(%run_scoped3A : memref<!tpu.dma_semaphore, #tpu.memory_space<semaphore_mem>>) src(%dma_wait3A_47 : memref<80x128xi32, #tpu.memory_space<hbm>>) dst(%arg8 : memref<80x128xi32, #tpu.memory_space<vmem>>)
      tpu.yield
    }) : () -> ()
    %mul3A = arith.constant 640 : i32
    %mul3A_0 = arith.muli %arg1, %mul3A : i32
    "tpu.region"() ({
      %run_scoped3A = tpu.sem_alloc : memref<!tpu.dma_semaphore, #tpu.memory_space<semaphore_mem>>
      %dma_start3A_33 = arith.constant 0 : i32
      %dma_start3A_34 = tpu.memref_slice %arg7[%mul3A_0, %dma_start3A_33] : memref<10240x128xf32, #tpu.memory_space<vmem_shared>> -> memref<640x128xf32, #tpu.memory_space<vmem_shared>>
      %dma_start3A_35 = arith.constant 0 : i32
      %dma_start3A_36 = tpu.memref_slice %arg5[%mul3A_0, %dma_start3A_35] : memref<10240x128xf32, #tpu.memory_space<hbm>> -> memref<640x128xf32, #tpu.memory_space<hbm>>
      tpu.enqueue_dma source(%dma_start3A_36 : memref<640x128xf32, #tpu.memory_space<hbm>>) target(%dma_start3A_34 : memref<640x128xf32, #tpu.memory_space<vmem_shared>>) target_semaphore(%run_scoped3A : memref<!tpu.dma_semaphore, #tpu.memory_space<semaphore_mem>>)
      %dma_wait3A = arith.constant 0 : i32
      %dma_wait3A_37 = tpu.memref_slice %arg7[%mul3A_0, %dma_wait3A] : memref<10240x128xf32, #tpu.memory_space<vmem_shared>> -> memref<640x128xf32, #tpu.memory_space<vmem_shared>>
      %dma_wait3A_38 = arith.constant 0 : i32
      %dma_wait3A_39 = tpu.memref_slice %arg5[%mul3A_0, %dma_wait3A_38] : memref<10240x128xf32, #tpu.memory_space<hbm>> -> memref<640x128xf32, #tpu.memory_space<hbm>>
      tpu.wait_dma2 semaphore(%run_scoped3A : memref<!tpu.dma_semaphore, #tpu.memory_space<semaphore_mem>>) src(%dma_wait3A_39 : memref<640x128xf32, #tpu.memory_space<hbm>>) dst(%dma_wait3A_37 : memref<640x128xf32, #tpu.memory_space<vmem_shared>>)
      tpu.yield
    }) : () -> ()
    %barrier3A = arith.constant 0 : index
    tpu.barrier barrier_id(%barrier3A)
    %dma_start3A = arith.constant 0 : i32
    %dma_start3A_1 = arith.constant 0 : i32
    %dma_start3A_2 = tpu.memref_slice %arg4[%arg1, %dma_start3A, %dma_start3A_1] : memref<16x80x128xi32, #tpu.memory_space<hbm>> -> memref<1x1x128xi32, #tpu.memory_space<hbm>>
    %dma_start3A_3 = tpu.memref_squeeze %dma_start3A_2 : memref<1x1x128xi32, #tpu.memory_space<hbm>> -> memref<128xi32, #tpu.memory_space<hbm>>
    %dma_start3A_4 = arith.constant 0 : i32
    %dma_start3A_5 = tpu.memref_slice %arg4[%arg1, %dma_start3A, %dma_start3A_4] : memref<16x80x128xi32, #tpu.memory_space<hbm>> -> memref<1x1x128xi32, #tpu.memory_space<hbm>>
    %dma_start3A_6 = tpu.memref_squeeze %dma_start3A_5 : memref<1x1x128xi32, #tpu.memory_space<hbm>> -> memref<128xi32, #tpu.memory_space<hbm>>
    tpu.enqueue_dma source(%dma_start3A_6 : memref<128xi32, #tpu.memory_space<hbm>>) target(%arg9 : memref<128xi32, #tpu.memory_space<vmem>>) target_semaphore(%arg15 : memref<!tpu.dma_semaphore, #tpu.memory_space<semaphore_mem>>)
    %dma_start3A_7 = arith.constant 0 : i32
    %dma_start3A_8 = arith.constant 0 : i32
    %dma_start3A_9 = tpu.memref_slice %arg8[%dma_start3A_7, %dma_start3A_8] : memref<80x128xi32, #tpu.memory_space<vmem>> -> memref<1x128xi32, #tpu.memory_space<vmem>>
    %dma_start3A_10 = tpu.memref_squeeze %dma_start3A_9 : memref<1x128xi32, #tpu.memory_space<vmem>> -> memref<128xi32, #tpu.memory_space<vmem>>
    %dma_start3A_11 = arith.constant 0 : i32
    %dma_start3A_12 = arith.constant 0 : i32
    %dma_start3A_13 = tpu.memref_slice %arg2[%dma_start3A_11, %dma_start3A_12] : memref<20000x128xf32, #tpu.memory_space<hbm>> -> memref<20000x128xf32, #tpu.memory_space<hbm>>
    tpu.enqueue_indirect_dma source(%dma_start3A_13 : memref<20000x128xf32, #tpu.memory_space<hbm>>) target(%arg11 : memref<128x128xf32, #tpu.memory_space<vmem>>) offsets(%dma_start3A_10 : memref<128xi32, #tpu.memory_space<vmem>>) semaphore(%arg13 : memref<!tpu.dma_semaphore, #tpu.memory_space<semaphore_mem>>)
    %dma_start3A_14 = arith.constant 1 : i32
    %dma_start3A_15 = arith.constant 0 : i32
    %dma_start3A_16 = tpu.memref_slice %arg4[%arg1, %dma_start3A_14, %dma_start3A_15] : memref<16x80x128xi32, #tpu.memory_space<hbm>> -> memref<1x1x128xi32, #tpu.memory_space<hbm>>
    %dma_start3A_17 = tpu.memref_squeeze %dma_start3A_16 : memref<1x1x128xi32, #tpu.memory_space<hbm>> -> memref<128xi32, #tpu.memory_space<hbm>>
    %dma_start3A_18 = arith.constant 0 : i32
    %dma_start3A_19 = tpu.memref_slice %arg4[%arg1, %dma_start3A_14, %dma_start3A_18] : memref<16x80x128xi32, #tpu.memory_space<hbm>> -> memref<1x1x128xi32, #tpu.memory_space<hbm>>
    %dma_start3A_20 = tpu.memref_squeeze %dma_start3A_19 : memref<1x1x128xi32, #tpu.memory_space<hbm>> -> memref<128xi32, #tpu.memory_space<hbm>>
    tpu.enqueue_dma source(%dma_start3A_20 : memref<128xi32, #tpu.memory_space<hbm>>) target(%arg10 : memref<128xi32, #tpu.memory_space<vmem>>) target_semaphore(%arg16 : memref<!tpu.dma_semaphore, #tpu.memory_space<semaphore_mem>>)
    %dma_start3A_21 = arith.constant 1 : i32
    %dma_start3A_22 = arith.constant 0 : i32
    %dma_start3A_23 = tpu.memref_slice %arg8[%dma_start3A_21, %dma_start3A_22] : memref<80x128xi32, #tpu.memory_space<vmem>> -> memref<1x128xi32, #tpu.memory_space<vmem>>
    %dma_start3A_24 = tpu.memref_squeeze %dma_start3A_23 : memref<1x128xi32, #tpu.memory_space<vmem>> -> memref<128xi32, #tpu.memory_space<vmem>>
    %dma_start3A_25 = arith.constant 0 : i32
    %dma_start3A_26 = arith.constant 0 : i32
    %dma_start3A_27 = tpu.memref_slice %arg2[%dma_start3A_25, %dma_start3A_26] : memref<20000x128xf32, #tpu.memory_space<hbm>> -> memref<20000x128xf32, #tpu.memory_space<hbm>>
    tpu.enqueue_indirect_dma source(%dma_start3A_27 : memref<20000x128xf32, #tpu.memory_space<hbm>>) target(%arg12 : memref<128x128xf32, #tpu.memory_space<vmem>>) offsets(%dma_start3A_24 : memref<128xi32, #tpu.memory_space<vmem>>) semaphore(%arg14 : memref<!tpu.dma_semaphore, #tpu.memory_space<semaphore_mem>>)
    %scan3A = arith.constant 0 : i32
    %scan3A_28 = arith.constant 40 : i32
    %scan3A_29 = arith.addi %scan3A, %scan3A_28 : i32
    %scan3A_30 = arith.constant 1 : i32
    scf.for %scan3A_33 = %scan3A to %scan3A_29 step %scan3A_30  : i32 {
      %mul3A_34 = arith.constant 1 : i32
      %mul3A_35 = arith.muli %scan3A_33, %mul3A_34 : i32
      %add3A = arith.constant 0 : i32
      %add3A_36 = arith.addi %add3A, %mul3A_35 : i32
      %mul3A_37 = arith.constant 2 : i32
      %mul3A_38 = arith.muli %mul3A_37, %add3A_36 : i32
      %add3A_39 = arith.constant 0 : i32
      %add3A_40 = arith.addi %mul3A_38, %add3A_39 : i32
      %dma_wait3A = arith.constant 0 : i32
      %dma_wait3A_41 = tpu.memref_slice %arg8[%add3A_40, %dma_wait3A] : memref<80x128xi32, #tpu.memory_space<vmem>> -> memref<1x128xi32, #tpu.memory_space<vmem>>
      %dma_wait3A_42 = tpu.memref_squeeze %dma_wait3A_41 : memref<1x128xi32, #tpu.memory_space<vmem>> -> memref<128xi32, #tpu.memory_space<vmem>>
      %dma_wait3A_43 = arith.constant 0 : i32
      %dma_wait3A_44 = arith.constant 0 : i32
      %dma_wait3A_45 = tpu.memref_slice %arg2[%dma_wait3A_43, %dma_wait3A_44] : memref<20000x128xf32, #tpu.memory_space<hbm>> -> memref<20000x128xf32, #tpu.memory_space<hbm>>
      tpu.wait_indirect_dma semaphore(%arg13 : memref<!tpu.dma_semaphore, #tpu.memory_space<semaphore_mem>>) src(%dma_wait3A_45 : memref<20000x128xf32, #tpu.memory_space<hbm>>) dst(%arg11 : memref<128x128xf32, #tpu.memory_space<vmem>>)
      %dma_wait3A_46 = arith.constant 0 : i32
      %dma_wait3A_47 = tpu.memref_slice %arg4[%arg1, %add3A_40, %dma_wait3A_46] : memref<16x80x128xi32, #tpu.memory_space<hbm>> -> memref<1x1x128xi32, #tpu.memory_space<hbm>>
      %dma_wait3A_48 = tpu.memref_squeeze %dma_wait3A_47 : memref<1x1x128xi32, #tpu.memory_space<hbm>> -> memref<128xi32, #tpu.memory_space<hbm>>
      %dma_wait3A_49 = arith.constant 0 : i32
      %dma_wait3A_50 = tpu.memref_slice %arg4[%arg1, %add3A_40, %dma_wait3A_49] : memref<16x80x128xi32, #tpu.memory_space<hbm>> -> memref<1x1x128xi32, #tpu.memory_space<hbm>>
      %dma_wait3A_51 = tpu.memref_squeeze %dma_wait3A_50 : memref<1x1x128xi32, #tpu.memory_space<hbm>> -> memref<128xi32, #tpu.memory_space<hbm>>
      tpu.wait_dma2 semaphore(%arg15 : memref<!tpu.dma_semaphore, #tpu.memory_space<semaphore_mem>>) src(%dma_wait3A_51 : memref<128xi32, #tpu.memory_space<hbm>>) dst(%arg9 : memref<128xi32, #tpu.memory_space<vmem>>)
      "tpu.region"() ({
        %run_scoped3A = tpu.sem_alloc : memref<!tpu.dma_semaphore, #tpu.memory_space<semaphore_mem>>
        %dma_start3A_79 = arith.constant 0 : i32
        %dma_start3A_80 = arith.constant 0 : i32
        %dma_start3A_81 = tpu.memref_slice %arg7[%dma_start3A_79, %dma_start3A_80] : memref<10240x128xf32, #tpu.memory_space<vmem_shared>> -> memref<10240x128xf32, #tpu.memory_space<vmem_shared>>
        tpu.enqueue_indirect_dma source(%arg11 : memref<128x128xf32, #tpu.memory_space<vmem>>) target(%dma_start3A_81 : memref<10240x128xf32, #tpu.memory_space<vmem_shared>>) offsets(%arg9 : memref<128xi32, #tpu.memory_space<vmem>>) semaphore(%run_scoped3A : memref<!tpu.dma_semaphore, #tpu.memory_space<semaphore_mem>>) {add = true}
        %dma_wait3A_82 = arith.constant 0 : i32
        %dma_wait3A_83 = arith.constant 0 : i32
        %dma_wait3A_84 = tpu.memref_slice %arg7[%dma_wait3A_82, %dma_wait3A_83] : memref<10240x128xf32, #tpu.memory_space<vmem_shared>> -> memref<10240x128xf32, #tpu.memory_space<vmem_shared>>
        tpu.wait_indirect_dma semaphore(%run_scoped3A : memref<!tpu.dma_semaphore, #tpu.memory_space<semaphore_mem>>) src(%arg11 : memref<128x128xf32, #tpu.memory_space<vmem>>) dst(%dma_wait3A_84 : memref<10240x128xf32, #tpu.memory_space<vmem_shared>>)
        tpu.yield
      }) : () -> ()
      %add3A_52 = arith.constant 2 : i32
      %add3A_53 = arith.addi %add3A_40, %add3A_52 : i32
      %lt3A = arith.constant 80 : i32
      %lt3A_54 = arith.cmpi slt, %add3A_53, %lt3A : i32
      %convert_element_type3A = arith.extui %lt3A_54 : i1 to i32
      %cond3A = arith.constant 0 : i32
      %cond3A_55 = arith.cmpi ne, %convert_element_type3A, %cond3A : i32
      scf.if %cond3A_55 {
        %dma_start3A_79 = arith.constant 0 : i32
        %dma_start3A_80 = tpu.memref_slice %arg4[%arg1, %add3A_53, %dma_start3A_79] : memref<16x80x128xi32, #tpu.memory_space<hbm>> -> memref<1x1x128xi32, #tpu.memory_space<hbm>>
        %dma_start3A_81 = tpu.memref_squeeze %dma_start3A_80 : memref<1x1x128xi32, #tpu.memory_space<hbm>> -> memref<128xi32, #tpu.memory_space<hbm>>
        %dma_start3A_82 = arith.constant 0 : i32
        %dma_start3A_83 = tpu.memref_slice %arg4[%arg1, %add3A_53, %dma_start3A_82] : memref<16x80x128xi32, #tpu.memory_space<hbm>> -> memref<1x1x128xi32, #tpu.memory_space<hbm>>
        %dma_start3A_84 = tpu.memref_squeeze %dma_start3A_83 : memref<1x1x128xi32, #tpu.memory_space<hbm>> -> memref<128xi32, #tpu.memory_space<hbm>>
        tpu.enqueue_dma source(%dma_start3A_84 : memref<128xi32, #tpu.memory_space<hbm>>) target(%arg9 : memref<128xi32, #tpu.memory_space<vmem>>) target_semaphore(%arg15 : memref<!tpu.dma_semaphore, #tpu.memory_space<semaphore_mem>>)
        %dma_start3A_85 = arith.constant 0 : i32
        %dma_start3A_86 = tpu.memref_slice %arg8[%add3A_53, %dma_start3A_85] : memref<80x128xi32, #tpu.memory_space<vmem>> -> memref<1x128xi32, #tpu.memory_space<vmem>>
        %dma_start3A_87 = tpu.memref_squeeze %dma_start3A_86 : memref<1x128xi32, #tpu.memory_space<vmem>> -> memref<128xi32, #tpu.memory_space<vmem>>
        %dma_start3A_88 = arith.constant 0 : i32
        %dma_start3A_89 = arith.constant 0 : i32
        %dma_start3A_90 = tpu.memref_slice %arg2[%dma_start3A_88, %dma_start3A_89] : memref<20000x128xf32, #tpu.memory_space<hbm>> -> memref<20000x128xf32, #tpu.memory_space<hbm>>
        tpu.enqueue_indirect_dma source(%dma_start3A_90 : memref<20000x128xf32, #tpu.memory_space<hbm>>) target(%arg11 : memref<128x128xf32, #tpu.memory_space<vmem>>) offsets(%dma_start3A_87 : memref<128xi32, #tpu.memory_space<vmem>>) semaphore(%arg13 : memref<!tpu.dma_semaphore, #tpu.memory_space<semaphore_mem>>)
      } else {
      }
      %mul3A_56 = arith.constant 2 : i32
      %mul3A_57 = arith.muli %mul3A_56, %add3A_36 : i32
      %add3A_58 = arith.constant 1 : i32
      %add3A_59 = arith.addi %mul3A_57, %add3A_58 : i32
      %dma_wait3A_60 = arith.constant 0 : i32
      %dma_wait3A_61 = tpu.memref_slice %arg8[%add3A_59, %dma_wait3A_60] : memref<80x128xi32, #tpu.memory_space<vmem>> -> memref<1x128xi32, #tpu.memory_space<vmem>>
      %dma_wait3A_62 = tpu.memref_squeeze %dma_wait3A_61 : memref<1x128xi32, #tpu.memory_space<vmem>> -> memref<128xi32, #tpu.memory_space<vmem>>
      %dma_wait3A_63 = arith.constant 0 : i32
      %dma_wait3A_64 = arith.constant 0 : i32
      %dma_wait3A_65 = tpu.memref_slice %arg2[%dma_wait3A_63, %dma_wait3A_64] : memref<20000x128xf32, #tpu.memory_space<hbm>> -> memref<20000x128xf32, #tpu.memory_space<hbm>>
      tpu.wait_indirect_dma semaphore(%arg14 : memref<!tpu.dma_semaphore, #tpu.memory_space<semaphore_mem>>) src(%dma_wait3A_65 : memref<20000x128xf32, #tpu.memory_space<hbm>>) dst(%arg12 : memref<128x128xf32, #tpu.memory_space<vmem>>)
      %dma_wait3A_66 = arith.constant 0 : i32
      %dma_wait3A_67 = tpu.memref_slice %arg4[%arg1, %add3A_59, %dma_wait3A_66] : memref<16x80x128xi32, #tpu.memory_space<hbm>> -> memref<1x1x128xi32, #tpu.memory_space<hbm>>
      %dma_wait3A_68 = tpu.memref_squeeze %dma_wait3A_67 : memref<1x1x128xi32, #tpu.memory_space<hbm>> -> memref<128xi32, #tpu.memory_space<hbm>>
      %dma_wait3A_69 = arith.constant 0 : i32
      %dma_wait3A_70 = tpu.memref_slice %arg4[%arg1, %add3A_59, %dma_wait3A_69] : memref<16x80x128xi32, #tpu.memory_space<hbm>> -> memref<1x1x128xi32, #tpu.memory_space<hbm>>
      %dma_wait3A_71 = tpu.memref_squeeze %dma_wait3A_70 : memref<1x1x128xi32, #tpu.memory_space<hbm>> -> memref<128xi32, #tpu.memory_space<hbm>>
      tpu.wait_dma2 semaphore(%arg16 : memref<!tpu.dma_semaphore, #tpu.memory_space<semaphore_mem>>) src(%dma_wait3A_71 : memref<128xi32, #tpu.memory_space<hbm>>) dst(%arg10 : memref<128xi32, #tpu.memory_space<vmem>>)
      "tpu.region"() ({
        %run_scoped3A = tpu.sem_alloc : memref<!tpu.dma_semaphore, #tpu.memory_space<semaphore_mem>>
        %dma_start3A_79 = arith.constant 0 : i32
        %dma_start3A_80 = arith.constant 0 : i32
        %dma_start3A_81 = tpu.memref_slice %arg7[%dma_start3A_79, %dma_start3A_80] : memref<10240x128xf32, #tpu.memory_space<vmem_shared>> -> memref<10240x128xf32, #tpu.memory_space<vmem_shared>>
        tpu.enqueue_indirect_dma source(%arg12 : memref<128x128xf32, #tpu.memory_space<vmem>>) target(%dma_start3A_81 : memref<10240x128xf32, #tpu.memory_space<vmem_shared>>) offsets(%arg10 : memref<128xi32, #tpu.memory_space<vmem>>) semaphore(%run_scoped3A : memref<!tpu.dma_semaphore, #tpu.memory_space<semaphore_mem>>) {add = true}
        %dma_wait3A_82 = arith.constant 0 : i32
        %dma_wait3A_83 = arith.constant 0 : i32
        %dma_wait3A_84 = tpu.memref_slice %arg7[%dma_wait3A_82, %dma_wait3A_83] : memref<10240x128xf32, #tpu.memory_space<vmem_shared>> -> memref<10240x128xf32, #tpu.memory_space<vmem_shared>>
        tpu.wait_indirect_dma semaphore(%run_scoped3A : memref<!tpu.dma_semaphore, #tpu.memory_space<semaphore_mem>>) src(%arg12 : memref<128x128xf32, #tpu.memory_space<vmem>>) dst(%dma_wait3A_84 : memref<10240x128xf32, #tpu.memory_space<vmem_shared>>)
        tpu.yield
      }) : () -> ()
      %add3A_72 = arith.constant 2 : i32
      %add3A_73 = arith.addi %add3A_59, %add3A_72 : i32
      %lt3A_74 = arith.constant 80 : i32
      %lt3A_75 = arith.cmpi slt, %add3A_73, %lt3A_74 : i32
      %convert_element_type3A_76 = arith.extui %lt3A_75 : i1 to i32
      %cond3A_77 = arith.constant 0 : i32
      %cond3A_78 = arith.cmpi ne, %convert_element_type3A_76, %cond3A_77 : i32
      scf.if %cond3A_78 {
        %dma_start3A_79 = arith.constant 0 : i32
        %dma_start3A_80 = tpu.memref_slice %arg4[%arg1, %add3A_73, %dma_start3A_79] : memref<16x80x128xi32, #tpu.memory_space<hbm>> -> memref<1x1x128xi32, #tpu.memory_space<hbm>>
        %dma_start3A_81 = tpu.memref_squeeze %dma_start3A_80 : memref<1x1x128xi32, #tpu.memory_space<hbm>> -> memref<128xi32, #tpu.memory_space<hbm>>
        %dma_start3A_82 = arith.constant 0 : i32
        %dma_start3A_83 = tpu.memref_slice %arg4[%arg1, %add3A_73, %dma_start3A_82] : memref<16x80x128xi32, #tpu.memory_space<hbm>> -> memref<1x1x128xi32, #tpu.memory_space<hbm>>
        %dma_start3A_84 = tpu.memref_squeeze %dma_start3A_83 : memref<1x1x128xi32, #tpu.memory_space<hbm>> -> memref<128xi32, #tpu.memory_space<hbm>>
        tpu.enqueue_dma source(%dma_start3A_84 : memref<128xi32, #tpu.memory_space<hbm>>) target(%arg10 : memref<128xi32, #tpu.memory_space<vmem>>) target_semaphore(%arg16 : memref<!tpu.dma_semaphore, #tpu.memory_space<semaphore_mem>>)
        %dma_start3A_85 = arith.constant 0 : i32
        %dma_start3A_86 = tpu.memref_slice %arg8[%add3A_73, %dma_start3A_85] : memref<80x128xi32, #tpu.memory_space<vmem>> -> memref<1x128xi32, #tpu.memory_space<vmem>>
        %dma_start3A_87 = tpu.memref_squeeze %dma_start3A_86 : memref<1x128xi32, #tpu.memory_space<vmem>> -> memref<128xi32, #tpu.memory_space<vmem>>
        %dma_start3A_88 = arith.constant 0 : i32
        %dma_start3A_89 = arith.constant 0 : i32
        %dma_start3A_90 = tpu.memref_slice %arg2[%dma_start3A_88, %dma_start3A_89] : memref<20000x128xf32, #tpu.memory_space<hbm>> -> memref<20000x128xf32, #tpu.memory_space<hbm>>
        tpu.enqueue_indirect_dma source(%dma_start3A_90 : memref<20000x128xf32, #tpu.memory_space<hbm>>) target(%arg12 : memref<128x128xf32, #tpu.memory_space<vmem>>) offsets(%dma_start3A_87 : memref<128xi32, #tpu.memory_space<vmem>>) semaphore(%arg14 : memref<!tpu.dma_semaphore, #tpu.memory_space<semaphore_mem>>)
      } else {
      }
    }
    %scan3A_31 = arith.constant 40 : i32
    %barrier3A_32 = arith.constant 0 : index
    tpu.barrier barrier_id(%barrier3A_32)
    "tpu.region"() ({
      %run_scoped3A = tpu.sem_alloc : memref<!tpu.dma_semaphore, #tpu.memory_space<semaphore_mem>>
      %dma_start3A_33 = arith.constant 0 : i32
      %dma_start3A_34 = tpu.memref_slice %arg6[%arg0, %mul3A_0, %dma_start3A_33] : memref<2x10240x128xf32, #tpu.memory_space<hbm>> -> memref<1x640x128xf32, #tpu.memory_space<hbm>>
      %dma_start3A_35 = tpu.memref_squeeze %dma_start3A_34 : memref<1x640x128xf32, #tpu.memory_space<hbm>> -> memref<640x128xf32, #tpu.memory_space<hbm>>
      %dma_start3A_36 = arith.constant 0 : i32
      %dma_start3A_37 = tpu.memref_slice %arg7[%mul3A_0, %dma_start3A_36] : memref<10240x128xf32, #tpu.memory_space<vmem_shared>> -> memref<640x128xf32, #tpu.memory_space<vmem_shared>>
      tpu.enqueue_dma source(%dma_start3A_37 : memref<640x128xf32, #tpu.memory_space<vmem_shared>>) target(%dma_start3A_35 : memref<640x128xf32, #tpu.memory_space<hbm>>) target_semaphore(%run_scoped3A : memref<!tpu.dma_semaphore, #tpu.memory_space<semaphore_mem>>)
      %dma_wait3A = arith.constant 0 : i32
      %dma_wait3A_38 = tpu.memref_slice %arg6[%arg0, %mul3A_0, %dma_wait3A] : memref<2x10240x128xf32, #tpu.memory_space<hbm>> -> memref<1x640x128xf32, #tpu.memory_space<hbm>>
      %dma_wait3A_39 = tpu.memref_squeeze %dma_wait3A_38 : memref<1x640x128xf32, #tpu.memory_space<hbm>> -> memref<640x128xf32, #tpu.memory_space<hbm>>
      %dma_wait3A_40 = arith.constant 0 : i32
      %dma_wait3A_41 = tpu.memref_slice %arg7[%mul3A_0, %dma_wait3A_40] : memref<10240x128xf32, #tpu.memory_space<vmem_shared>> -> memref<640x128xf32, #tpu.memory_space<vmem_shared>>
      tpu.wait_dma2 semaphore(%run_scoped3A : memref<!tpu.dma_semaphore, #tpu.memory_space<semaphore_mem>>) src(%dma_wait3A_41 : memref<640x128xf32, #tpu.memory_space<vmem_shared>>) dst(%dma_wait3A_39 : memref<640x128xf32, #tpu.memory_space<hbm>>)
      tpu.yield
    }) : () -> ()
    return
  }
}

#map = affine_map<(d0, d1) -> (0, 0)>
#map1 = affine_map<(d0, d1) -> (0, 0, 0, 0)>
#map2 = affine_map<(d0, d1) -> (0, 0, 0)>
module attributes {stable_mosaic.version = 14 : i64} {
  func.func @_agg_body(%arg0: i32, %arg1: i32, %arg2: memref<20000x128xf32, #tpu.memory_space<hbm>>, %arg3: memref<2x16x80x128xi32, #tpu.memory_space<hbm>>, %arg4: memref<16x80x128xi32, #tpu.memory_space<hbm>>, %arg5: memref<10240x128xf32, #tpu.memory_space<hbm>>, %arg6: memref<2x10240x128xf32, #tpu.memory_space<hbm>>, %arg7: memref<10240x128xf32, #tpu.memory_space<vmem_shared>>, %arg8: memref<80x128xi32, #tpu.memory_space<vmem>>, %arg9: memref<128xi32, #tpu.memory_space<vmem>>, %arg10: memref<128xi32, #tpu.memory_space<vmem>>, %arg11: memref<128x128xf32, #tpu.memory_space<vmem>>, %arg12: memref<128x128xf32, #tpu.memory_space<vmem>>, %arg13: memref<!tpu.dma_semaphore, #tpu.memory_space<semaphore_mem>>, %arg14: memref<!tpu.dma_semaphore, #tpu.memory_space<semaphore_mem>>, %arg15: memref<!tpu.dma_semaphore, #tpu.memory_space<semaphore_mem>>, %arg16: memref<!tpu.dma_semaphore, #tpu.memory_space<semaphore_mem>>) attributes {dimension_semantics = [#tpu.dimension_semantics<core_parallel>, #tpu.dimension_semantics<subcore_parallel>], iteration_bounds = array<i64: 2, 16>, scalar_prefetch = 0 : i64, scratch_operands = 10 : i64, tpu.core_type = #tpu.core_type<sc_vector_subcore>, window_params = [{transform_indices = #map}, {transform_indices = #map1}, {transform_indices = #map2}, {transform_indices = #map}, {transform_indices = #map2}]} {
    "tpu.region"() ({
      %run_scoped3A = tpu.sem_alloc : memref<!tpu.dma_semaphore, #tpu.memory_space<semaphore_mem>>
      %dma_start3A_33 = arith.constant 0 : i32
      %dma_start3A_34 = arith.constant 0 : i32
      %dma_start3A_35 = tpu.memref_slice %arg3[%arg0, %arg1, %dma_start3A_33, %dma_start3A_34] : memref<2x16x80x128xi32, #tpu.memory_space<hbm>> -> memref<1x1x80x128xi32, #tpu.memory_space<hbm>>
      %dma_start3A_36 = tpu.memref_squeeze %dma_start3A_35 : memref<1x1x80x128xi32, #tpu.memory_space<hbm>> -> memref<80x128xi32, #tpu.memory_space<hbm>>
      %dma_start3A_37 = arith.constant 0 : i32
      %dma_start3A_38 = arith.constant 0 : i32
      %dma_start3A_39 = tpu.memref_slice %arg3[%arg0, %arg1, %dma_start3A_37, %dma_start3A_38] : memref<2x16x80x128xi32, #tpu.memory_space<hbm>> -> memref<1x1x80x128xi32, #tpu.memory_space<hbm>>
      %dma_start3A_40 = tpu.memref_squeeze %dma_start3A_39 : memref<1x1x80x128xi32, #tpu.memory_space<hbm>> -> memref<80x128xi32, #tpu.memory_space<hbm>>
      tpu.enqueue_dma source(%dma_start3A_40 : memref<80x128xi32, #tpu.memory_space<hbm>>) target(%arg8 : memref<80x128xi32, #tpu.memory_space<vmem>>) target_semaphore(%run_scoped3A : memref<!tpu.dma_semaphore, #tpu.memory_space<semaphore_mem>>)
      %dma_wait3A = arith.constant 0 : i32
      %dma_wait3A_41 = arith.constant 0 : i32
      %dma_wait3A_42 = tpu.memref_slice %arg3[%arg0, %arg1, %dma_wait3A, %dma_wait3A_41] : memref<2x16x80x128xi32, #tpu.memory_space<hbm>> -> memref<1x1x80x128xi32, #tpu.memory_space<hbm>>
      %dma_wait3A_43 = tpu.memref_squeeze %dma_wait3A_42 : memref<1x1x80x128xi32, #tpu.memory_space<hbm>> -> memref<80x128xi32, #tpu.memory_space<hbm>>
      %dma_wait3A_44 = arith.constant 0 : i32
      %dma_wait3A_45 = arith.constant 0 : i32
      %dma_wait3A_46 = tpu.memref_slice %arg3[%arg0, %arg1, %dma_wait3A_44, %dma_wait3A_45] : memref<2x16x80x128xi32, #tpu.memory_space<hbm>> -> memref<1x1x80x128xi32, #tpu.memory_space<hbm>>
      %dma_wait3A_47 = tpu.memref_squeeze %dma_wait3A_46 : memref<1x1x80x128xi32, #tpu.memory_space<hbm>> -> memref<80x128xi32, #tpu.memory_space<hbm>>
      tpu.wait_dma2 semaphore(%run_scoped3A : memref<!tpu.dma_semaphore, #tpu.memory_space<semaphore_mem>>) src(%dma_wait3A_47 : memref<80x128xi32, #tpu.memory_space<hbm>>) dst(%arg8 : memref<80x128xi32, #tpu.memory_space<vmem>>)
      tpu.yield
    }) : () -> ()
    %mul3A = arith.constant 640 : i32
    %mul3A_0 = arith.muli %arg1, %mul3A : i32
    "tpu.region"() ({
      %run_scoped3A = tpu.sem_alloc : memref<!tpu.dma_semaphore, #tpu.memory_space<semaphore_mem>>
      %dma_start3A_33 = arith.constant 0 : i32
      %dma_start3A_34 = tpu.memref_slice %arg7[%mul3A_0, %dma_start3A_33] : memref<10240x128xf32, #tpu.memory_space<vmem_shared>> -> memref<640x128xf32, #tpu.memory_space<vmem_shared>>
      %dma_start3A_35 = arith.constant 0 : i32
      %dma_start3A_36 = tpu.memref_slice %arg5[%mul3A_0, %dma_start3A_35] : memref<10240x128xf32, #tpu.memory_space<hbm>> -> memref<640x128xf32, #tpu.memory_space<hbm>>
      tpu.enqueue_dma source(%dma_start3A_36 : memref<640x128xf32, #tpu.memory_space<hbm>>) target(%dma_start3A_34 : memref<640x128xf32, #tpu.memory_space<vmem_shared>>) target_semaphore(%run_scoped3A : memref<!tpu.dma_semaphore, #tpu.memory_space<semaphore_mem>>)
      %dma_wait3A = arith.constant 0 : i32
      %dma_wait3A_37 = tpu.memref_slice %arg7[%mul3A_0, %dma_wait3A] : memref<10240x128xf32, #tpu.memory_space<vmem_shared>> -> memref<640x128xf32, #tpu.memory_space<vmem_shared>>
      %dma_wait3A_38 = arith.constant 0 : i32
      %dma_wait3A_39 = tpu.memref_slice %arg5[%mul3A_0, %dma_wait3A_38] : memref<10240x128xf32, #tpu.memory_space<hbm>> -> memref<640x128xf32, #tpu.memory_space<hbm>>
      tpu.wait_dma2 semaphore(%run_scoped3A : memref<!tpu.dma_semaphore, #tpu.memory_space<semaphore_mem>>) src(%dma_wait3A_39 : memref<640x128xf32, #tpu.memory_space<hbm>>) dst(%dma_wait3A_37 : memref<640x128xf32, #tpu.memory_space<vmem_shared>>)
      tpu.yield
    }) : () -> ()
    %barrier3A = arith.constant 0 : index
    tpu.barrier barrier_id(%barrier3A)
    %dma_start3A = arith.constant 0 : i32
    %dma_start3A_1 = arith.constant 0 : i32
    %dma_start3A_2 = tpu.memref_slice %arg4[%arg1, %dma_start3A, %dma_start3A_1] : memref<16x80x128xi32, #tpu.memory_space<hbm>> -> memref<1x1x128xi32, #tpu.memory_space<hbm>>
    %dma_start3A_3 = tpu.memref_squeeze %dma_start3A_2 : memref<1x1x128xi32, #tpu.memory_space<hbm>> -> memref<128xi32, #tpu.memory_space<hbm>>
    %dma_start3A_4 = arith.constant 0 : i32
    %dma_start3A_5 = tpu.memref_slice %arg4[%arg1, %dma_start3A, %dma_start3A_4] : memref<16x80x128xi32, #tpu.memory_space<hbm>> -> memref<1x1x128xi32, #tpu.memory_space<hbm>>
    %dma_start3A_6 = tpu.memref_squeeze %dma_start3A_5 : memref<1x1x128xi32, #tpu.memory_space<hbm>> -> memref<128xi32, #tpu.memory_space<hbm>>
    tpu.enqueue_dma source(%dma_start3A_6 : memref<128xi32, #tpu.memory_space<hbm>>) target(%arg9 : memref<128xi32, #tpu.memory_space<vmem>>) target_semaphore(%arg15 : memref<!tpu.dma_semaphore, #tpu.memory_space<semaphore_mem>>)
    %dma_start3A_7 = arith.constant 0 : i32
    %dma_start3A_8 = arith.constant 0 : i32
    %dma_start3A_9 = tpu.memref_slice %arg8[%dma_start3A_7, %dma_start3A_8] : memref<80x128xi32, #tpu.memory_space<vmem>> -> memref<1x128xi32, #tpu.memory_space<vmem>>
    %dma_start3A_10 = tpu.memref_squeeze %dma_start3A_9 : memref<1x128xi32, #tpu.memory_space<vmem>> -> memref<128xi32, #tpu.memory_space<vmem>>
    %dma_start3A_11 = arith.constant 0 : i32
    %dma_start3A_12 = arith.constant 0 : i32
    %dma_start3A_13 = tpu.memref_slice %arg2[%dma_start3A_11, %dma_start3A_12] : memref<20000x128xf32, #tpu.memory_space<hbm>> -> memref<20000x128xf32, #tpu.memory_space<hbm>>
    tpu.enqueue_indirect_dma source(%dma_start3A_13 : memref<20000x128xf32, #tpu.memory_space<hbm>>) target(%arg11 : memref<128x128xf32, #tpu.memory_space<vmem>>) offsets(%dma_start3A_10 : memref<128xi32, #tpu.memory_space<vmem>>) semaphore(%arg13 : memref<!tpu.dma_semaphore, #tpu.memory_space<semaphore_mem>>)
    %dma_start3A_14 = arith.constant 1 : i32
    %dma_start3A_15 = arith.constant 0 : i32
    %dma_start3A_16 = tpu.memref_slice %arg4[%arg1, %dma_start3A_14, %dma_start3A_15] : memref<16x80x128xi32, #tpu.memory_space<hbm>> -> memref<1x1x128xi32, #tpu.memory_space<hbm>>
    %dma_start3A_17 = tpu.memref_squeeze %dma_start3A_16 : memref<1x1x128xi32, #tpu.memory_space<hbm>> -> memref<128xi32, #tpu.memory_space<hbm>>
    %dma_start3A_18 = arith.constant 0 : i32
    %dma_start3A_19 = tpu.memref_slice %arg4[%arg1, %dma_start3A_14, %dma_start3A_18] : memref<16x80x128xi32, #tpu.memory_space<hbm>> -> memref<1x1x128xi32, #tpu.memory_space<hbm>>
    %dma_start3A_20 = tpu.memref_squeeze %dma_start3A_19 : memref<1x1x128xi32, #tpu.memory_space<hbm>> -> memref<128xi32, #tpu.memory_space<hbm>>
    tpu.enqueue_dma source(%dma_start3A_20 : memref<128xi32, #tpu.memory_space<hbm>>) target(%arg10 : memref<128xi32, #tpu.memory_space<vmem>>) target_semaphore(%arg16 : memref<!tpu.dma_semaphore, #tpu.memory_space<semaphore_mem>>)
    %dma_start3A_21 = arith.constant 1 : i32
    %dma_start3A_22 = arith.constant 0 : i32
    %dma_start3A_23 = tpu.memref_slice %arg8[%dma_start3A_21, %dma_start3A_22] : memref<80x128xi32, #tpu.memory_space<vmem>> -> memref<1x128xi32, #tpu.memory_space<vmem>>
    %dma_start3A_24 = tpu.memref_squeeze %dma_start3A_23 : memref<1x128xi32, #tpu.memory_space<vmem>> -> memref<128xi32, #tpu.memory_space<vmem>>
    %dma_start3A_25 = arith.constant 0 : i32
    %dma_start3A_26 = arith.constant 0 : i32
    %dma_start3A_27 = tpu.memref_slice %arg2[%dma_start3A_25, %dma_start3A_26] : memref<20000x128xf32, #tpu.memory_space<hbm>> -> memref<20000x128xf32, #tpu.memory_space<hbm>>
    tpu.enqueue_indirect_dma source(%dma_start3A_27 : memref<20000x128xf32, #tpu.memory_space<hbm>>) target(%arg12 : memref<128x128xf32, #tpu.memory_space<vmem>>) offsets(%dma_start3A_24 : memref<128xi32, #tpu.memory_space<vmem>>) semaphore(%arg14 : memref<!tpu.dma_semaphore, #tpu.memory_space<semaphore_mem>>)
    %scan3A = arith.constant 0 : i32
    %scan3A_28 = arith.constant 40 : i32
    %scan3A_29 = arith.addi %scan3A, %scan3A_28 : i32
    %scan3A_30 = arith.constant 1 : i32
    scf.for %scan3A_33 = %scan3A to %scan3A_29 step %scan3A_30  : i32 {
      %mul3A_34 = arith.constant 1 : i32
      %mul3A_35 = arith.muli %scan3A_33, %mul3A_34 : i32
      %add3A = arith.constant 0 : i32
      %add3A_36 = arith.addi %add3A, %mul3A_35 : i32
      %mul3A_37 = arith.constant 2 : i32
      %mul3A_38 = arith.muli %mul3A_37, %add3A_36 : i32
      %add3A_39 = arith.constant 0 : i32
      %add3A_40 = arith.addi %mul3A_38, %add3A_39 : i32
      %dma_wait3A = arith.constant 0 : i32
      %dma_wait3A_41 = tpu.memref_slice %arg8[%add3A_40, %dma_wait3A] : memref<80x128xi32, #tpu.memory_space<vmem>> -> memref<1x128xi32, #tpu.memory_space<vmem>>
      %dma_wait3A_42 = tpu.memref_squeeze %dma_wait3A_41 : memref<1x128xi32, #tpu.memory_space<vmem>> -> memref<128xi32, #tpu.memory_space<vmem>>
      %dma_wait3A_43 = arith.constant 0 : i32
      %dma_wait3A_44 = arith.constant 0 : i32
      %dma_wait3A_45 = tpu.memref_slice %arg2[%dma_wait3A_43, %dma_wait3A_44] : memref<20000x128xf32, #tpu.memory_space<hbm>> -> memref<20000x128xf32, #tpu.memory_space<hbm>>
      tpu.wait_indirect_dma semaphore(%arg13 : memref<!tpu.dma_semaphore, #tpu.memory_space<semaphore_mem>>) src(%dma_wait3A_45 : memref<20000x128xf32, #tpu.memory_space<hbm>>) dst(%arg11 : memref<128x128xf32, #tpu.memory_space<vmem>>)
      %dma_wait3A_46 = arith.constant 0 : i32
      %dma_wait3A_47 = tpu.memref_slice %arg4[%arg1, %add3A_40, %dma_wait3A_46] : memref<16x80x128xi32, #tpu.memory_space<hbm>> -> memref<1x1x128xi32, #tpu.memory_space<hbm>>
      %dma_wait3A_48 = tpu.memref_squeeze %dma_wait3A_47 : memref<1x1x128xi32, #tpu.memory_space<hbm>> -> memref<128xi32, #tpu.memory_space<hbm>>
      %dma_wait3A_49 = arith.constant 0 : i32
      %dma_wait3A_50 = tpu.memref_slice %arg4[%arg1, %add3A_40, %dma_wait3A_49] : memref<16x80x128xi32, #tpu.memory_space<hbm>> -> memref<1x1x128xi32, #tpu.memory_space<hbm>>
      %dma_wait3A_51 = tpu.memref_squeeze %dma_wait3A_50 : memref<1x1x128xi32, #tpu.memory_space<hbm>> -> memref<128xi32, #tpu.memory_space<hbm>>
      tpu.wait_dma2 semaphore(%arg15 : memref<!tpu.dma_semaphore, #tpu.memory_space<semaphore_mem>>) src(%dma_wait3A_51 : memref<128xi32, #tpu.memory_space<hbm>>) dst(%arg9 : memref<128xi32, #tpu.memory_space<vmem>>)
      "tpu.region"() ({
        %run_scoped3A = tpu.sem_alloc : memref<!tpu.dma_semaphore, #tpu.memory_space<semaphore_mem>>
        %dma_start3A_79 = arith.constant 0 : i32
        %dma_start3A_80 = arith.constant 0 : i32
        %dma_start3A_81 = tpu.memref_slice %arg7[%dma_start3A_79, %dma_start3A_80] : memref<10240x128xf32, #tpu.memory_space<vmem_shared>> -> memref<10240x128xf32, #tpu.memory_space<vmem_shared>>
        tpu.enqueue_indirect_dma source(%arg11 : memref<128x128xf32, #tpu.memory_space<vmem>>) target(%dma_start3A_81 : memref<10240x128xf32, #tpu.memory_space<vmem_shared>>) offsets(%arg9 : memref<128xi32, #tpu.memory_space<vmem>>) semaphore(%run_scoped3A : memref<!tpu.dma_semaphore, #tpu.memory_space<semaphore_mem>>) {add = true}
        %dma_wait3A_82 = arith.constant 0 : i32
        %dma_wait3A_83 = arith.constant 0 : i32
        %dma_wait3A_84 = tpu.memref_slice %arg7[%dma_wait3A_82, %dma_wait3A_83] : memref<10240x128xf32, #tpu.memory_space<vmem_shared>> -> memref<10240x128xf32, #tpu.memory_space<vmem_shared>>
        tpu.wait_indirect_dma semaphore(%run_scoped3A : memref<!tpu.dma_semaphore, #tpu.memory_space<semaphore_mem>>) src(%arg11 : memref<128x128xf32, #tpu.memory_space<vmem>>) dst(%dma_wait3A_84 : memref<10240x128xf32, #tpu.memory_space<vmem_shared>>)
        tpu.yield
      }) : () -> ()
      %add3A_52 = arith.constant 2 : i32
      %add3A_53 = arith.addi %add3A_40, %add3A_52 : i32
      %lt3A = arith.constant 80 : i32
      %lt3A_54 = arith.cmpi slt, %add3A_53, %lt3A : i32
      %convert_element_type3A = arith.extui %lt3A_54 : i1 to i32
      %cond3A = arith.constant 0 : i32
      %cond3A_55 = arith.cmpi ne, %convert_element_type3A, %cond3A : i32
      scf.if %cond3A_55 {
        %dma_start3A_79 = arith.constant 0 : i32
        %dma_start3A_80 = tpu.memref_slice %arg4[%arg1, %add3A_53, %dma_start3A_79] : memref<16x80x128xi32, #tpu.memory_space<hbm>> -> memref<1x1x128xi32, #tpu.memory_space<hbm>>
        %dma_start3A_81 = tpu.memref_squeeze %dma_start3A_80 : memref<1x1x128xi32, #tpu.memory_space<hbm>> -> memref<128xi32, #tpu.memory_space<hbm>>
        %dma_start3A_82 = arith.constant 0 : i32
        %dma_start3A_83 = tpu.memref_slice %arg4[%arg1, %add3A_53, %dma_start3A_82] : memref<16x80x128xi32, #tpu.memory_space<hbm>> -> memref<1x1x128xi32, #tpu.memory_space<hbm>>
        %dma_start3A_84 = tpu.memref_squeeze %dma_start3A_83 : memref<1x1x128xi32, #tpu.memory_space<hbm>> -> memref<128xi32, #tpu.memory_space<hbm>>
        tpu.enqueue_dma source(%dma_start3A_84 : memref<128xi32, #tpu.memory_space<hbm>>) target(%arg9 : memref<128xi32, #tpu.memory_space<vmem>>) target_semaphore(%arg15 : memref<!tpu.dma_semaphore, #tpu.memory_space<semaphore_mem>>)
        %dma_start3A_85 = arith.constant 0 : i32
        %dma_start3A_86 = tpu.memref_slice %arg8[%add3A_53, %dma_start3A_85] : memref<80x128xi32, #tpu.memory_space<vmem>> -> memref<1x128xi32, #tpu.memory_space<vmem>>
        %dma_start3A_87 = tpu.memref_squeeze %dma_start3A_86 : memref<1x128xi32, #tpu.memory_space<vmem>> -> memref<128xi32, #tpu.memory_space<vmem>>
        %dma_start3A_88 = arith.constant 0 : i32
        %dma_start3A_89 = arith.constant 0 : i32
        %dma_start3A_90 = tpu.memref_slice %arg2[%dma_start3A_88, %dma_start3A_89] : memref<20000x128xf32, #tpu.memory_space<hbm>> -> memref<20000x128xf32, #tpu.memory_space<hbm>>
        tpu.enqueue_indirect_dma source(%dma_start3A_90 : memref<20000x128xf32, #tpu.memory_space<hbm>>) target(%arg11 : memref<128x128xf32, #tpu.memory_space<vmem>>) offsets(%dma_start3A_87 : memref<128xi32, #tpu.memory_space<vmem>>) semaphore(%arg13 : memref<!tpu.dma_semaphore, #tpu.memory_space<semaphore_mem>>)
      } else {
      }
      %mul3A_56 = arith.constant 2 : i32
      %mul3A_57 = arith.muli %mul3A_56, %add3A_36 : i32
      %add3A_58 = arith.constant 1 : i32
      %add3A_59 = arith.addi %mul3A_57, %add3A_58 : i32
      %dma_wait3A_60 = arith.constant 0 : i32
      %dma_wait3A_61 = tpu.memref_slice %arg8[%add3A_59, %dma_wait3A_60] : memref<80x128xi32, #tpu.memory_space<vmem>> -> memref<1x128xi32, #tpu.memory_space<vmem>>
      %dma_wait3A_62 = tpu.memref_squeeze %dma_wait3A_61 : memref<1x128xi32, #tpu.memory_space<vmem>> -> memref<128xi32, #tpu.memory_space<vmem>>
      %dma_wait3A_63 = arith.constant 0 : i32
      %dma_wait3A_64 = arith.constant 0 : i32
      %dma_wait3A_65 = tpu.memref_slice %arg2[%dma_wait3A_63, %dma_wait3A_64] : memref<20000x128xf32, #tpu.memory_space<hbm>> -> memref<20000x128xf32, #tpu.memory_space<hbm>>
      tpu.wait_indirect_dma semaphore(%arg14 : memref<!tpu.dma_semaphore, #tpu.memory_space<semaphore_mem>>) src(%dma_wait3A_65 : memref<20000x128xf32, #tpu.memory_space<hbm>>) dst(%arg12 : memref<128x128xf32, #tpu.memory_space<vmem>>)
      %dma_wait3A_66 = arith.constant 0 : i32
      %dma_wait3A_67 = tpu.memref_slice %arg4[%arg1, %add3A_59, %dma_wait3A_66] : memref<16x80x128xi32, #tpu.memory_space<hbm>> -> memref<1x1x128xi32, #tpu.memory_space<hbm>>
      %dma_wait3A_68 = tpu.memref_squeeze %dma_wait3A_67 : memref<1x1x128xi32, #tpu.memory_space<hbm>> -> memref<128xi32, #tpu.memory_space<hbm>>
      %dma_wait3A_69 = arith.constant 0 : i32
      %dma_wait3A_70 = tpu.memref_slice %arg4[%arg1, %add3A_59, %dma_wait3A_69] : memref<16x80x128xi32, #tpu.memory_space<hbm>> -> memref<1x1x128xi32, #tpu.memory_space<hbm>>
      %dma_wait3A_71 = tpu.memref_squeeze %dma_wait3A_70 : memref<1x1x128xi32, #tpu.memory_space<hbm>> -> memref<128xi32, #tpu.memory_space<hbm>>
      tpu.wait_dma2 semaphore(%arg16 : memref<!tpu.dma_semaphore, #tpu.memory_space<semaphore_mem>>) src(%dma_wait3A_71 : memref<128xi32, #tpu.memory_space<hbm>>) dst(%arg10 : memref<128xi32, #tpu.memory_space<vmem>>)
      "tpu.region"() ({
        %run_scoped3A = tpu.sem_alloc : memref<!tpu.dma_semaphore, #tpu.memory_space<semaphore_mem>>
        %dma_start3A_79 = arith.constant 0 : i32
        %dma_start3A_80 = arith.constant 0 : i32
        %dma_start3A_81 = tpu.memref_slice %arg7[%dma_start3A_79, %dma_start3A_80] : memref<10240x128xf32, #tpu.memory_space<vmem_shared>> -> memref<10240x128xf32, #tpu.memory_space<vmem_shared>>
        tpu.enqueue_indirect_dma source(%arg12 : memref<128x128xf32, #tpu.memory_space<vmem>>) target(%dma_start3A_81 : memref<10240x128xf32, #tpu.memory_space<vmem_shared>>) offsets(%arg10 : memref<128xi32, #tpu.memory_space<vmem>>) semaphore(%run_scoped3A : memref<!tpu.dma_semaphore, #tpu.memory_space<semaphore_mem>>) {add = true}
        %dma_wait3A_82 = arith.constant 0 : i32
        %dma_wait3A_83 = arith.constant 0 : i32
        %dma_wait3A_84 = tpu.memref_slice %arg7[%dma_wait3A_82, %dma_wait3A_83] : memref<10240x128xf32, #tpu.memory_space<vmem_shared>> -> memref<10240x128xf32, #tpu.memory_space<vmem_shared>>
        tpu.wait_indirect_dma semaphore(%run_scoped3A : memref<!tpu.dma_semaphore, #tpu.memory_space<semaphore_mem>>) src(%arg12 : memref<128x128xf32, #tpu.memory_space<vmem>>) dst(%dma_wait3A_84 : memref<10240x128xf32, #tpu.memory_space<vmem_shared>>)
        tpu.yield
      }) : () -> ()
      %add3A_72 = arith.constant 2 : i32
      %add3A_73 = arith.addi %add3A_59, %add3A_72 : i32
      %lt3A_74 = arith.constant 80 : i32
      %lt3A_75 = arith.cmpi slt, %add3A_73, %lt3A_74 : i32
      %convert_element_type3A_76 = arith.extui %lt3A_75 : i1 to i32
      %cond3A_77 = arith.constant 0 : i32
      %cond3A_78 = arith.cmpi ne, %convert_element_type3A_76, %cond3A_77 : i32
      scf.if %cond3A_78 {
        %dma_start3A_79 = arith.constant 0 : i32
        %dma_start3A_80 = tpu.memref_slice %arg4[%arg1, %add3A_73, %dma_start3A_79] : memref<16x80x128xi32, #tpu.memory_space<hbm>> -> memref<1x1x128xi32, #tpu.memory_space<hbm>>
        %dma_start3A_81 = tpu.memref_squeeze %dma_start3A_80 : memref<1x1x128xi32, #tpu.memory_space<hbm>> -> memref<128xi32, #tpu.memory_space<hbm>>
        %dma_start3A_82 = arith.constant 0 : i32
        %dma_start3A_83 = tpu.memref_slice %arg4[%arg1, %add3A_73, %dma_start3A_82] : memref<16x80x128xi32, #tpu.memory_space<hbm>> -> memref<1x1x128xi32, #tpu.memory_space<hbm>>
        %dma_start3A_84 = tpu.memref_squeeze %dma_start3A_83 : memref<1x1x128xi32, #tpu.memory_space<hbm>> -> memref<128xi32, #tpu.memory_space<hbm>>
        tpu.enqueue_dma source(%dma_start3A_84 : memref<128xi32, #tpu.memory_space<hbm>>) target(%arg10 : memref<128xi32, #tpu.memory_space<vmem>>) target_semaphore(%arg16 : memref<!tpu.dma_semaphore, #tpu.memory_space<semaphore_mem>>)
        %dma_start3A_85 = arith.constant 0 : i32
        %dma_start3A_86 = tpu.memref_slice %arg8[%add3A_73, %dma_start3A_85] : memref<80x128xi32, #tpu.memory_space<vmem>> -> memref<1x128xi32, #tpu.memory_space<vmem>>
        %dma_start3A_87 = tpu.memref_squeeze %dma_start3A_86 : memref<1x128xi32, #tpu.memory_space<vmem>> -> memref<128xi32, #tpu.memory_space<vmem>>
        %dma_start3A_88 = arith.constant 0 : i32
        %dma_start3A_89 = arith.constant 0 : i32
        %dma_start3A_90 = tpu.memref_slice %arg2[%dma_start3A_88, %dma_start3A_89] : memref<20000x128xf32, #tpu.memory_space<hbm>> -> memref<20000x128xf32, #tpu.memory_space<hbm>>
        tpu.enqueue_indirect_dma source(%dma_start3A_90 : memref<20000x128xf32, #tpu.memory_space<hbm>>) target(%arg12 : memref<128x128xf32, #tpu.memory_space<vmem>>) offsets(%dma_start3A_87 : memref<128xi32, #tpu.memory_space<vmem>>) semaphore(%arg14 : memref<!tpu.dma_semaphore, #tpu.memory_space<semaphore_mem>>)
      } else {
      }
    }
    %scan3A_31 = arith.constant 40 : i32
    %barrier3A_32 = arith.constant 0 : index
    tpu.barrier barrier_id(%barrier3A_32)
    "tpu.region"() ({
      %run_scoped3A = tpu.sem_alloc : memref<!tpu.dma_semaphore, #tpu.memory_space<semaphore_mem>>
      %dma_start3A_33 = arith.constant 0 : i32
      %dma_start3A_34 = tpu.memref_slice %arg6[%arg0, %mul3A_0, %dma_start3A_33] : memref<2x10240x128xf32, #tpu.memory_space<hbm>> -> memref<1x640x128xf32, #tpu.memory_space<hbm>>
      %dma_start3A_35 = tpu.memref_squeeze %dma_start3A_34 : memref<1x640x128xf32, #tpu.memory_space<hbm>> -> memref<640x128xf32, #tpu.memory_space<hbm>>
      %dma_start3A_36 = arith.constant 0 : i32
      %dma_start3A_37 = tpu.memref_slice %arg7[%mul3A_0, %dma_start3A_36] : memref<10240x128xf32, #tpu.memory_space<vmem_shared>> -> memref<640x128xf32, #tpu.memory_space<vmem_shared>>
      tpu.enqueue_dma source(%dma_start3A_37 : memref<640x128xf32, #tpu.memory_space<vmem_shared>>) target(%dma_start3A_35 : memref<640x128xf32, #tpu.memory_space<hbm>>) target_semaphore(%run_scoped3A : memref<!tpu.dma_semaphore, #tpu.memory_space<semaphore_mem>>)
      %dma_wait3A = arith.constant 0 : i32
      %dma_wait3A_38 = tpu.memref_slice %arg6[%arg0, %mul3A_0, %dma_wait3A] : memref<2x10240x128xf32, #tpu.memory_space<hbm>> -> memref<1x640x128xf32, #tpu.memory_space<hbm>>
      %dma_wait3A_39 = tpu.memref_squeeze %dma_wait3A_38 : memref<1x640x128xf32, #tpu.memory_space<hbm>> -> memref<640x128xf32, #tpu.memory_space<hbm>>
      %dma_wait3A_40 = arith.constant 0 : i32
      %dma_wait3A_41 = tpu.memref_slice %arg7[%mul3A_0, %dma_wait3A_40] : memref<10240x128xf32, #tpu.memory_space<vmem_shared>> -> memref<640x128xf32, #tpu.memory_space<vmem_shared>>
      tpu.wait_dma2 semaphore(%run_scoped3A : memref<!tpu.dma_semaphore, #tpu.memory_space<semaphore_mem>>) src(%dma_wait3A_41 : memref<640x128xf32, #tpu.memory_space<vmem_shared>>) dst(%dma_wait3A_39 : memref<640x128xf32, #tpu.memory_space<hbm>>)
      tpu.yield
    }) : () -> ()
    return
  }
}

module attributes {stable_mosaic.version = 14 : i64} {
  func.func @_mm1s_body(%arg0: i32, %arg1: memref<400x256xf32, #tpu.memory_space<vmem>>, %arg2: memref<256x256xf32, #tpu.memory_space<vmem>>, %arg3: memref<2x400x8xf32, #tpu.memory_space<vmem>>, %arg4: memref<2x400x128xf32, #tpu.memory_space<vmem>>, %arg5: memref<400x1xf32, #tpu.memory_space<vmem>>) attributes {dimension_semantics = [#tpu.dimension_semantics<arbitrary>], iteration_bounds = array<i64: 25>, scalar_prefetch = 0 : i64, scratch_operands = 0 : i64, tpu.core_type = #tpu.core_type<tc>, window_params = [{transform_indices = @transform_0, window_bounds = array<i64: 400, 256>}, {pipeline_mode = #tpu.pipeline_mode<synchronous>, transform_indices = @transform_1, window_bounds = array<i64: 256, 256>}, {transform_indices = @transform_2, window_bounds = array<i64: 2, 400, 8>}, {transform_indices = @transform_3, window_bounds = array<i64: 2, 400, 128>}, {transform_indices = @transform_4, window_bounds = array<i64: 400, 1>}]} {
    %get3A = arith.constant 0 : index
    %get3A_0 = arith.constant 0 : index
    %get3A_1 = vector.load %arg1[%get3A, %get3A_0] : memref<400x256xf32, #tpu.memory_space<vmem>>, vector<400x256xf32>
    %get3A_2 = arith.constant 0 : index
    %get3A_3 = arith.constant 0 : index
    %get3A_4 = vector.load %arg2[%get3A_2, %get3A_3] : memref<256x256xf32, #tpu.memory_space<vmem>>, vector<256x256xf32>
    %dot_general3A = arith.constant dense<0.000000e+00> : vector<400x256xf32>
    %dot_general3A_5 = tpu.matmul %get3A_1, %get3A_4, %dot_general3A {dimension_numbers = #tpu.dot_dimension_numbers<[1], [1], [0], [0], [0, 0, 1, 0], [], []>, transpose_lhs_hint = false} : vector<400x256xf32>, vector<256x256xf32>, vector<400x256xf32> -> vector<400x256xf32>
    %get3A_6 = arith.constant 0 : index
    %get3A_7 = arith.constant 0 : index
    %get3A_8 = arith.constant 0 : index
    %get3A_9 = vector.load %arg3[%get3A_6, %get3A_7, %get3A_8] : memref<2x400x8xf32, #tpu.memory_space<vmem>>, vector<1x400x1xf32>
    %get3A_10 = vector.shape_cast %get3A_9 : vector<1x400x1xf32> to vector<400xf32>
    %get3A_11 = arith.constant 1 : index
    %get3A_12 = arith.constant 0 : index
    %get3A_13 = arith.constant 0 : index
    %get3A_14 = vector.load %arg3[%get3A_11, %get3A_12, %get3A_13] : memref<2x400x8xf32, #tpu.memory_space<vmem>>, vector<1x400x1xf32>
    %get3A_15 = vector.shape_cast %get3A_14 : vector<1x400x1xf32> to vector<400xf32>
    %add3A = arith.addf %get3A_10, %get3A_15 : vector<400xf32>
    %add3A_16 = arith.constant 1.000000e+00 : f32
    %add3A_17 = vector.broadcast %add3A_16 : f32 to vector<400xf32>
    %add3A_18 = arith.addf %add3A, %add3A_17 : vector<400xf32>
    %rsqrt3A = math.rsqrt %add3A_18 : vector<400xf32>
    %broadcast_in_dim3A = vector.shape_cast %rsqrt3A : vector<400xf32> to vector<400x1xf32>
    %swap3A = arith.constant 0 : index
    %swap3A_19 = arith.constant 0 : index
    %swap3A_20 = vector.load %arg5[%swap3A, %swap3A_19] : memref<400x1xf32, #tpu.memory_space<vmem>>, vector<400x1xf32>
    tpu.vector_store %arg5[%swap3A, %swap3A_19], %broadcast_in_dim3A {strides = array<i32>} : memref<400x1xf32, #tpu.memory_space<vmem>>, vector<400x1xf32>,
    %broadcast_in_dim3A_21 = vector.shape_cast %rsqrt3A : vector<400xf32> to vector<400x1xf32>
    %mul3A = vector.broadcast %broadcast_in_dim3A_21 : vector<400x1xf32> to vector<400x256xf32>
    %mul3A_22 = arith.mulf %dot_general3A_5, %mul3A : vector<400x256xf32>
    %slice3A = vector.extract_strided_slice %mul3A_22 {offsets = [0, 0], sizes = [400, 128], strides = [1, 1]} : vector<400x256xf32> to vector<400x128xf32>
    %swap3A_23 = arith.constant 0 : index
    %swap3A_24 = arith.constant 0 : index
    %swap3A_25 = arith.constant 0 : index
    %swap3A_26 = vector.load %arg4[%swap3A_23, %swap3A_24, %swap3A_25] : memref<2x400x128xf32, #tpu.memory_space<vmem>>, vector<1x400x128xf32>
    %swap3A_27 = vector.shape_cast %swap3A_26 : vector<1x400x128xf32> to vector<400x128xf32>
    %swap3A_28 = vector.shape_cast %slice3A : vector<400x128xf32> to vector<1x400x128xf32>
    tpu.vector_store %arg4[%swap3A_23, %swap3A_24, %swap3A_25], %swap3A_28 {strides = array<i32>} : memref<2x400x128xf32, #tpu.memory_space<vmem>>, vector<1x400x128xf32>,
    %slice3A_29 = vector.extract_strided_slice %mul3A_22 {offsets = [0, 128], sizes = [400, 128], strides = [1, 1]} : vector<400x256xf32> to vector<400x128xf32>
    %swap3A_30 = arith.constant 1 : index
    %swap3A_31 = arith.constant 0 : index
    %swap3A_32 = arith.constant 0 : index
    %swap3A_33 = vector.load %arg4[%swap3A_30, %swap3A_31, %swap3A_32] : memref<2x400x128xf32, #tpu.memory_space<vmem>>, vector<1x400x128xf32>
    %swap3A_34 = vector.shape_cast %swap3A_33 : vector<1x400x128xf32> to vector<400x128xf32>
    %swap3A_35 = vector.shape_cast %slice3A_29 : vector<400x128xf32> to vector<1x400x128xf32>
    tpu.vector_store %arg4[%swap3A_30, %swap3A_31, %swap3A_32], %swap3A_35 {strides = array<i32>} : memref<2x400x128xf32, #tpu.memory_space<vmem>>, vector<1x400x128xf32>,
    return
  }
  func.func @transform_0(%arg0: i32) -> (i32, i32) {
    %c0_i32 = arith.constant 0 : i32
    %c0_i32_0 = arith.constant 0 : i32
    return %arg0, %c0_i32 : i32, i32
  }
  func.func @transform_1(%arg0: i32) -> (i32, i32) {
    %c0_i32 = arith.constant 0 : i32
    %c0_i32_0 = arith.constant 0 : i32
    %c0_i32_1 = arith.constant 0 : i32
    return %c0_i32, %c0_i32_0 : i32, i32
  }
  func.func @transform_2(%arg0: i32) -> (i32, i32, i32) {
    %c0_i32 = arith.constant 0 : i32
    %c0_i32_0 = arith.constant 0 : i32
    %c0_i32_1 = arith.constant 0 : i32
    return %c0_i32, %arg0, %c0_i32_0 : i32, i32, i32
  }
  func.func @transform_3(%arg0: i32) -> (i32, i32, i32) {
    %c0_i32 = arith.constant 0 : i32
    %c0_i32_0 = arith.constant 0 : i32
    %c0_i32_1 = arith.constant 0 : i32
    return %c0_i32, %arg0, %c0_i32_0 : i32, i32, i32
  }
  func.func @transform_4(%arg0: i32) -> (i32, i32) {
    %c0_i32 = arith.constant 0 : i32
    %c0_i32_0 = arith.constant 0 : i32
    return %arg0, %c0_i32 : i32, i32
  }
}

module attributes {stable_mosaic.version = 14 : i64} {
  func.func @_bcos1_body(%arg0: i32, %arg1: memref<2x400x128xf32, #tpu.memory_space<vmem>>, %arg2: memref<2x400x128xf32, #tpu.memory_space<vmem>>, %arg3: memref<400x1xf32, #tpu.memory_space<vmem>>, %arg4: memref<256x256xf32, #tpu.memory_space<vmem>>, %arg5: memref<256x256xf32, #tpu.memory_space<vmem>>, %arg6: memref<400x256xf32, #tpu.memory_space<vmem>>, %arg7: memref<400x256xf32, #tpu.memory_space<vmem>>, %arg8: memref<2x400x128xf32, #tpu.memory_space<vmem>>) attributes {dimension_semantics = [#tpu.dimension_semantics<arbitrary>], iteration_bounds = array<i64: 25>, scalar_prefetch = 0 : i64, scratch_operands = 0 : i64, tpu.core_type = #tpu.core_type<tc>, window_params = [{transform_indices = @transform_0, window_bounds = array<i64: 2, 400, 128>}, {transform_indices = @transform_1, window_bounds = array<i64: 2, 400, 128>}, {transform_indices = @transform_2, window_bounds = array<i64: 400, 1>}, {pipeline_mode = #tpu.pipeline_mode<synchronous>, transform_indices = @transform_3, window_bounds = array<i64: 256, 256>}, {pipeline_mode = #tpu.pipeline_mode<synchronous>, transform_indices = @transform_4, window_bounds = array<i64: 256, 256>}, {transform_indices = @transform_5, window_bounds = array<i64: 400, 256>}, {transform_indices = @transform_6, window_bounds = array<i64: 400, 256>}, {transform_indices = @transform_7, window_bounds = array<i64: 2, 400, 128>}]} {
    %get3A = arith.constant 0 : index
    %get3A_0 = arith.constant 0 : index
    %get3A_1 = arith.constant 0 : index
    %get3A_2 = vector.load %arg1[%get3A, %get3A_0, %get3A_1] : memref<2x400x128xf32, #tpu.memory_space<vmem>>, vector<1x400x128xf32>
    %get3A_3 = vector.shape_cast %get3A_2 : vector<1x400x128xf32> to vector<400x128xf32>
    %get3A_4 = arith.constant 1 : index
    %get3A_5 = arith.constant 0 : index
    %get3A_6 = arith.constant 0 : index
    %get3A_7 = vector.load %arg1[%get3A_4, %get3A_5, %get3A_6] : memref<2x400x128xf32, #tpu.memory_space<vmem>>, vector<1x400x128xf32>
    %get3A_8 = vector.shape_cast %get3A_7 : vector<1x400x128xf32> to vector<400x128xf32>
    %concatenate3A = tpu.concatenate %get3A_3, %get3A_8 in 1 : vector<400x128xf32>, vector<400x128xf32> -> vector<400x256xf32>
    %get3A_9 = arith.constant 0 : index
    %get3A_10 = arith.constant 0 : index
    %get3A_11 = arith.constant 0 : index
    %get3A_12 = vector.load %arg2[%get3A_9, %get3A_10, %get3A_11] : memref<2x400x128xf32, #tpu.memory_space<vmem>>, vector<1x400x128xf32>
    %get3A_13 = vector.shape_cast %get3A_12 : vector<1x400x128xf32> to vector<400x128xf32>
    %get3A_14 = arith.constant 1 : index
    %get3A_15 = arith.constant 0 : index
    %get3A_16 = arith.constant 0 : index
    %get3A_17 = vector.load %arg2[%get3A_14, %get3A_15, %get3A_16] : memref<2x400x128xf32, #tpu.memory_space<vmem>>, vector<1x400x128xf32>
    %get3A_18 = vector.shape_cast %get3A_17 : vector<1x400x128xf32> to vector<400x128xf32>
    %concatenate3A_19 = tpu.concatenate %get3A_13, %get3A_18 in 1 : vector<400x128xf32>, vector<400x128xf32> -> vector<400x256xf32>
    %get3A_20 = arith.constant 0 : index
    %get3A_21 = arith.constant 0 : index
    %get3A_22 = vector.load %arg3[%get3A_20, %get3A_21] : memref<400x1xf32, #tpu.memory_space<vmem>>, vector<400x1xf32>
    %add3A = arith.addf %concatenate3A, %concatenate3A_19 : vector<400x256xf32>
    %mul3A = vector.broadcast %get3A_22 : vector<400x1xf32> to vector<400x256xf32>
    %mul3A_23 = arith.mulf %mul3A, %add3A : vector<400x256xf32>
    %swap3A = arith.constant 0 : index
    %swap3A_24 = arith.constant 0 : index
    %swap3A_25 = vector.load %arg6[%swap3A, %swap3A_24] : memref<400x256xf32, #tpu.memory_space<vmem>>, vector<400x256xf32>
    tpu.vector_store %arg6[%swap3A, %swap3A_24], %mul3A_23 {strides = array<i32>} : memref<400x256xf32, #tpu.memory_space<vmem>>, vector<400x256xf32>,
    %mul3A_26 = arith.mulf %mul3A_23, %mul3A_23 : vector<400x256xf32>
    %reduce_sum3A = arith.constant dense<0.000000e+00> : vector<400xf32>
    %reduce_sum3A_27 = vector.multi_reduction <add>, %mul3A_26, %reduce_sum3A [1] : vector<400x256xf32> to vector<400xf32>
    %broadcast_in_dim3A = vector.shape_cast %reduce_sum3A_27 : vector<400xf32> to vector<400x1xf32>
    %sqrt3A = math.sqrt %broadcast_in_dim3A : vector<400x1xf32>
    %max3A = arith.constant 9.99999996E-13 : f32
    %max3A_28 = vector.broadcast %max3A : f32 to vector<400x1xf32>
    %max3A_29 = arith.maximumf %sqrt3A, %max3A_28 : vector<400x1xf32>
    %get3A_30 = arith.constant 0 : index
    %get3A_31 = arith.constant 0 : index
    %get3A_32 = vector.load %arg4[%get3A_30, %get3A_31] : memref<256x256xf32, #tpu.memory_space<vmem>>, vector<256x256xf32>
    %mul3A_33 = arith.mulf %get3A_32, %get3A_32 : vector<256x256xf32>
    %reduce_sum3A_34 = arith.constant dense<0.000000e+00> : vector<256xf32>
    %reduce_sum3A_35 = vector.multi_reduction <add>, %mul3A_33, %reduce_sum3A_34 [1] : vector<256x256xf32> to vector<256xf32>
    %sqrt3A_36 = math.sqrt %reduce_sum3A_35 : vector<256xf32>
    %max3A_37 = arith.constant 9.99999996E-13 : f32
    %max3A_38 = vector.broadcast %max3A_37 : f32 to vector<256xf32>
    %max3A_39 = arith.maximumf %sqrt3A_36, %max3A_38 : vector<256xf32>
    %dot_general3A = arith.constant dense<0.000000e+00> : vector<400x256xf32>
    %dot_general3A_40 = tpu.matmul %mul3A_23, %get3A_32, %dot_general3A {dimension_numbers = #tpu.dot_dimension_numbers<[1], [1], [0], [0], [0, 0, 1, 0], [], []>, transpose_lhs_hint = false} : vector<400x256xf32>, vector<256x256xf32>, vector<400x256xf32> -> vector<400x256xf32>
    %broadcast_in_dim3A_41 = vector.shape_cast %max3A_39 : vector<256xf32> to vector<1x256xf32>
    %mul3A_42 = vector.broadcast %max3A_29 : vector<400x1xf32> to vector<400x256xf32>
    %mul3A_43 = vector.broadcast %broadcast_in_dim3A_41 : vector<1x256xf32> to vector<400x256xf32>
    %mul3A_44 = arith.mulf %mul3A_42, %mul3A_43 : vector<400x256xf32>
    %div3A = arith.divf %dot_general3A_40, %mul3A_44 : vector<400x256xf32>
    %max3A_45 = arith.constant 9.99999997E-7 : f32
    %max3A_46 = vector.broadcast %max3A_45 : f32 to vector<400x256xf32>
    %max3A_47 = arith.maximumf %div3A, %max3A_46 : vector<400x256xf32>
    %swap3A_48 = arith.constant 0 : index
    %swap3A_49 = arith.constant 0 : index
    %swap3A_50 = vector.load %arg7[%swap3A_48, %swap3A_49] : memref<400x256xf32, #tpu.memory_space<vmem>>, vector<400x256xf32>
    tpu.vector_store %arg7[%swap3A_48, %swap3A_49], %max3A_47 {strides = array<i32>} : memref<400x256xf32, #tpu.memory_space<vmem>>, vector<400x256xf32>,
    %mul3A_51 = arith.mulf %dot_general3A_40, %max3A_47 : vector<400x256xf32>
    %max3A_52 = arith.constant 0.000000e+00 : f32
    %max3A_53 = vector.broadcast %max3A_52 : f32 to vector<400x256xf32>
    %max3A_54 = arith.maximumf %mul3A_51, %max3A_53 : vector<400x256xf32>
    %get3A_55 = arith.constant 0 : index
    %get3A_56 = arith.constant 0 : index
    %get3A_57 = vector.load %arg5[%get3A_55, %get3A_56] : memref<256x256xf32, #tpu.memory_space<vmem>>, vector<256x256xf32>
    %dot_general3A_58 = arith.constant dense<0.000000e+00> : vector<400x256xf32>
    %dot_general3A_59 = tpu.matmul %max3A_54, %get3A_57, %dot_general3A_58 {dimension_numbers = #tpu.dot_dimension_numbers<[1], [1], [0], [0], [0, 0, 1, 0], [], []>, transpose_lhs_hint = false} : vector<400x256xf32>, vector<256x256xf32>, vector<400x256xf32> -> vector<400x256xf32>
    %mul3A_60 = vector.broadcast %get3A_22 : vector<400x1xf32> to vector<400x256xf32>
    %mul3A_61 = arith.mulf %mul3A_60, %dot_general3A_59 : vector<400x256xf32>
    %slice3A = vector.extract_strided_slice %mul3A_61 {offsets = [0, 0], sizes = [400, 128], strides = [1, 1]} : vector<400x256xf32> to vector<400x128xf32>
    %swap3A_62 = arith.constant 0 : index
    %swap3A_63 = arith.constant 0 : index
    %swap3A_64 = arith.constant 0 : index
    %swap3A_65 = vector.load %arg8[%swap3A_62, %swap3A_63, %swap3A_64] : memref<2x400x128xf32, #tpu.memory_space<vmem>>, vector<1x400x128xf32>
    %swap3A_66 = vector.shape_cast %swap3A_65 : vector<1x400x128xf32> to vector<400x128xf32>
    %swap3A_67 = vector.shape_cast %slice3A : vector<400x128xf32> to vector<1x400x128xf32>
    tpu.vector_store %arg8[%swap3A_62, %swap3A_63, %swap3A_64], %swap3A_67 {strides = array<i32>} : memref<2x400x128xf32, #tpu.memory_space<vmem>>, vector<1x400x128xf32>,
    %slice3A_68 = vector.extract_strided_slice %mul3A_61 {offsets = [0, 128], sizes = [400, 128], strides = [1, 1]} : vector<400x256xf32> to vector<400x128xf32>
    %swap3A_69 = arith.constant 1 : index
    %swap3A_70 = arith.constant 0 : index
    %swap3A_71 = arith.constant 0 : index
    %swap3A_72 = vector.load %arg8[%swap3A_69, %swap3A_70, %swap3A_71] : memref<2x400x128xf32, #tpu.memory_space<vmem>>, vector<1x400x128xf32>
    %swap3A_73 = vector.shape_cast %swap3A_72 : vector<1x400x128xf32> to vector<400x128xf32>
    %swap3A_74 = vector.shape_cast %slice3A_68 : vector<400x128xf32> to vector<1x400x128xf32>
    tpu.vector_store %arg8[%swap3A_69, %swap3A_70, %swap3A_71], %swap3A_74 {strides = array<i32>} : memref<2x400x128xf32, #tpu.memory_space<vmem>>, vector<1x400x128xf32>,
    return
  }
  func.func @transform_0(%arg0: i32) -> (i32, i32, i32) {
    %c0_i32 = arith.constant 0 : i32
    %c0_i32_0 = arith.constant 0 : i32
    %c0_i32_1 = arith.constant 0 : i32
    return %c0_i32, %arg0, %c0_i32_0 : i32, i32, i32
  }
  func.func @transform_1(%arg0: i32) -> (i32, i32, i32) {
    %c0_i32 = arith.constant 0 : i32
    %c0_i32_0 = arith.constant 0 : i32
    %c0_i32_1 = arith.constant 0 : i32
    return %c0_i32, %arg0, %c0_i32_0 : i32, i32, i32
  }
  func.func @transform_2(%arg0: i32) -> (i32, i32) {
    %c0_i32 = arith.constant 0 : i32
    %c0_i32_0 = arith.constant 0 : i32
    return %arg0, %c0_i32 : i32, i32
  }
  func.func @transform_3(%arg0: i32) -> (i32, i32) {
    %c0_i32 = arith.constant 0 : i32
    %c0_i32_0 = arith.constant 0 : i32
    %c0_i32_1 = arith.constant 0 : i32
    return %c0_i32, %c0_i32_0 : i32, i32
  }
  func.func @transform_4(%arg0: i32) -> (i32, i32) {
    %c0_i32 = arith.constant 0 : i32
    %c0_i32_0 = arith.constant 0 : i32
    %c0_i32_1 = arith.constant 0 : i32
    return %c0_i32, %c0_i32_0 : i32, i32
  }
  func.func @transform_5(%arg0: i32) -> (i32, i32) {
    %c0_i32 = arith.constant 0 : i32
    %c0_i32_0 = arith.constant 0 : i32
    return %arg0, %c0_i32 : i32, i32
  }
  func.func @transform_6(%arg0: i32) -> (i32, i32) {
    %c0_i32 = arith.constant 0 : i32
    %c0_i32_0 = arith.constant 0 : i32
    return %arg0, %c0_i32 : i32, i32
  }
  func.func @transform_7(%arg0: i32) -> (i32, i32, i32) {
    %c0_i32 = arith.constant 0 : i32
    %c0_i32_0 = arith.constant 0 : i32
    %c0_i32_1 = arith.constant 0 : i32
    return %c0_i32, %arg0, %c0_i32_0 : i32, i32, i32
  }
}

module attributes {stable_mosaic.version = 14 : i64} {
  func.func @_bcos2_body(%arg0: i32, %arg1: memref<2x400x128xf32, #tpu.memory_space<vmem>>, %arg2: memref<2x400x128xf32, #tpu.memory_space<vmem>>, %arg3: memref<400x1xf32, #tpu.memory_space<vmem>>, %arg4: memref<128x256xf32, #tpu.memory_space<vmem>>, %arg5: memref<400x256xf32, #tpu.memory_space<vmem>>, %arg6: memref<400x128xf32, #tpu.memory_space<vmem>>, %arg7: memref<400x128xf32, #tpu.memory_space<vmem>>) attributes {dimension_semantics = [#tpu.dimension_semantics<arbitrary>], iteration_bounds = array<i64: 25>, scalar_prefetch = 0 : i64, scratch_operands = 0 : i64, tpu.core_type = #tpu.core_type<tc>, window_params = [{transform_indices = @transform_0, window_bounds = array<i64: 2, 400, 128>}, {transform_indices = @transform_1, window_bounds = array<i64: 2, 400, 128>}, {transform_indices = @transform_2, window_bounds = array<i64: 400, 1>}, {pipeline_mode = #tpu.pipeline_mode<synchronous>, transform_indices = @transform_3, window_bounds = array<i64: 128, 256>}, {transform_indices = @transform_4, window_bounds = array<i64: 400, 256>}, {transform_indices = @transform_5, window_bounds = array<i64: 400, 128>}, {transform_indices = @transform_6, window_bounds = array<i64: 400, 128>}]} {
    %get3A = arith.constant 0 : index
    %get3A_0 = arith.constant 0 : index
    %get3A_1 = arith.constant 0 : index
    %get3A_2 = vector.load %arg1[%get3A, %get3A_0, %get3A_1] : memref<2x400x128xf32, #tpu.memory_space<vmem>>, vector<1x400x128xf32>
    %get3A_3 = vector.shape_cast %get3A_2 : vector<1x400x128xf32> to vector<400x128xf32>
    %get3A_4 = arith.constant 1 : index
    %get3A_5 = arith.constant 0 : index
    %get3A_6 = arith.constant 0 : index
    %get3A_7 = vector.load %arg1[%get3A_4, %get3A_5, %get3A_6] : memref<2x400x128xf32, #tpu.memory_space<vmem>>, vector<1x400x128xf32>
    %get3A_8 = vector.shape_cast %get3A_7 : vector<1x400x128xf32> to vector<400x128xf32>
    %concatenate3A = tpu.concatenate %get3A_3, %get3A_8 in 1 : vector<400x128xf32>, vector<400x128xf32> -> vector<400x256xf32>
    %get3A_9 = arith.constant 0 : index
    %get3A_10 = arith.constant 0 : index
    %get3A_11 = arith.constant 0 : index
    %get3A_12 = vector.load %arg2[%get3A_9, %get3A_10, %get3A_11] : memref<2x400x128xf32, #tpu.memory_space<vmem>>, vector<1x400x128xf32>
    %get3A_13 = vector.shape_cast %get3A_12 : vector<1x400x128xf32> to vector<400x128xf32>
    %get3A_14 = arith.constant 1 : index
    %get3A_15 = arith.constant 0 : index
    %get3A_16 = arith.constant 0 : index
    %get3A_17 = vector.load %arg2[%get3A_14, %get3A_15, %get3A_16] : memref<2x400x128xf32, #tpu.memory_space<vmem>>, vector<1x400x128xf32>
    %get3A_18 = vector.shape_cast %get3A_17 : vector<1x400x128xf32> to vector<400x128xf32>
    %concatenate3A_19 = tpu.concatenate %get3A_13, %get3A_18 in 1 : vector<400x128xf32>, vector<400x128xf32> -> vector<400x256xf32>
    %get3A_20 = arith.constant 0 : index
    %get3A_21 = arith.constant 0 : index
    %get3A_22 = vector.load %arg3[%get3A_20, %get3A_21] : memref<400x1xf32, #tpu.memory_space<vmem>>, vector<400x1xf32>
    %add3A = arith.addf %concatenate3A, %concatenate3A_19 : vector<400x256xf32>
    %mul3A = vector.broadcast %get3A_22 : vector<400x1xf32> to vector<400x256xf32>
    %mul3A_23 = arith.mulf %mul3A, %add3A : vector<400x256xf32>
    %swap3A = arith.constant 0 : index
    %swap3A_24 = arith.constant 0 : index
    %swap3A_25 = vector.load %arg5[%swap3A, %swap3A_24] : memref<400x256xf32, #tpu.memory_space<vmem>>, vector<400x256xf32>
    tpu.vector_store %arg5[%swap3A, %swap3A_24], %mul3A_23 {strides = array<i32>} : memref<400x256xf32, #tpu.memory_space<vmem>>, vector<400x256xf32>,
    %mul3A_26 = arith.mulf %mul3A_23, %mul3A_23 : vector<400x256xf32>
    %reduce_sum3A = arith.constant dense<0.000000e+00> : vector<400xf32>
    %reduce_sum3A_27 = vector.multi_reduction <add>, %mul3A_26, %reduce_sum3A [1] : vector<400x256xf32> to vector<400xf32>
    %broadcast_in_dim3A = vector.shape_cast %reduce_sum3A_27 : vector<400xf32> to vector<400x1xf32>
    %sqrt3A = math.sqrt %broadcast_in_dim3A : vector<400x1xf32>
    %max3A = arith.constant 9.99999996E-13 : f32
    %max3A_28 = vector.broadcast %max3A : f32 to vector<400x1xf32>
    %max3A_29 = arith.maximumf %sqrt3A, %max3A_28 : vector<400x1xf32>
    %get3A_30 = arith.constant 0 : index
    %get3A_31 = arith.constant 0 : index
    %get3A_32 = vector.load %arg4[%get3A_30, %get3A_31] : memref<128x256xf32, #tpu.memory_space<vmem>>, vector<128x256xf32>
    %mul3A_33 = arith.mulf %get3A_32, %get3A_32 : vector<128x256xf32>
    %reduce_sum3A_34 = arith.constant dense<0.000000e+00> : vector<128xf32>
    %reduce_sum3A_35 = vector.multi_reduction <add>, %mul3A_33, %reduce_sum3A_34 [1] : vector<128x256xf32> to vector<128xf32>
    %sqrt3A_36 = math.sqrt %reduce_sum3A_35 : vector<128xf32>
    %max3A_37 = arith.constant 9.99999996E-13 : f32
    %max3A_38 = vector.broadcast %max3A_37 : f32 to vector<128xf32>
    %max3A_39 = arith.maximumf %sqrt3A_36, %max3A_38 : vector<128xf32>
    %dot_general3A = arith.constant dense<0.000000e+00> : vector<400x128xf32>
    %dot_general3A_40 = tpu.matmul %mul3A_23, %get3A_32, %dot_general3A {dimension_numbers = #tpu.dot_dimension_numbers<[1], [1], [0], [0], [0, 0, 1, 0], [], []>, transpose_lhs_hint = false} : vector<400x256xf32>, vector<128x256xf32>, vector<400x128xf32> -> vector<400x128xf32>
    %broadcast_in_dim3A_41 = vector.shape_cast %max3A_39 : vector<128xf32> to vector<1x128xf32>
    %mul3A_42 = vector.broadcast %max3A_29 : vector<400x1xf32> to vector<400x128xf32>
    %mul3A_43 = vector.broadcast %broadcast_in_dim3A_41 : vector<1x128xf32> to vector<400x128xf32>
    %mul3A_44 = arith.mulf %mul3A_42, %mul3A_43 : vector<400x128xf32>
    %div3A = arith.divf %dot_general3A_40, %mul3A_44 : vector<400x128xf32>
    %max3A_45 = arith.constant 9.99999997E-7 : f32
    %max3A_46 = vector.broadcast %max3A_45 : f32 to vector<400x128xf32>
    %max3A_47 = arith.maximumf %div3A, %max3A_46 : vector<400x128xf32>
    %swap3A_48 = arith.constant 0 : index
    %swap3A_49 = arith.constant 0 : index
    %swap3A_50 = vector.load %arg6[%swap3A_48, %swap3A_49] : memref<400x128xf32, #tpu.memory_space<vmem>>, vector<400x128xf32>
    tpu.vector_store %arg6[%swap3A_48, %swap3A_49], %max3A_47 {strides = array<i32>} : memref<400x128xf32, #tpu.memory_space<vmem>>, vector<400x128xf32>,
    %mul3A_51 = arith.mulf %dot_general3A_40, %max3A_47 : vector<400x128xf32>
    %swap3A_52 = arith.constant 0 : index
    %swap3A_53 = arith.constant 0 : index
    %swap3A_54 = vector.load %arg7[%swap3A_52, %swap3A_53] : memref<400x128xf32, #tpu.memory_space<vmem>>, vector<400x128xf32>
    tpu.vector_store %arg7[%swap3A_52, %swap3A_53], %mul3A_51 {strides = array<i32>} : memref<400x128xf32, #tpu.memory_space<vmem>>, vector<400x128xf32>,
    return
  }
  func.func @transform_0(%arg0: i32) -> (i32, i32, i32) {
    %c0_i32 = arith.constant 0 : i32
    %c0_i32_0 = arith.constant 0 : i32
    %c0_i32_1 = arith.constant 0 : i32
    return %c0_i32, %arg0, %c0_i32_0 : i32, i32, i32
  }
  func.func @transform_1(%arg0: i32) -> (i32, i32, i32) {
    %c0_i32 = arith.constant 0 : i32
    %c0_i32_0 = arith.constant 0 : i32
    %c0_i32_1 = arith.constant 0 : i32
    return %c0_i32, %arg0, %c0_i32_0 : i32, i32, i32
  }
  func.func @transform_2(%arg0: i32) -> (i32, i32) {
    %c0_i32 = arith.constant 0 : i32
    %c0_i32_0 = arith.constant 0 : i32
    return %arg0, %c0_i32 : i32, i32
  }
  func.func @transform_3(%arg0: i32) -> (i32, i32) {
    %c0_i32 = arith.constant 0 : i32
    %c0_i32_0 = arith.constant 0 : i32
    %c0_i32_1 = arith.constant 0 : i32
    return %c0_i32, %c0_i32_0 : i32, i32
  }
  func.func @transform_4(%arg0: i32) -> (i32, i32) {
    %c0_i32 = arith.constant 0 : i32
    %c0_i32_0 = arith.constant 0 : i32
    return %arg0, %c0_i32 : i32, i32
  }
  func.func @transform_5(%arg0: i32) -> (i32, i32) {
    %c0_i32 = arith.constant 0 : i32
    %c0_i32_0 = arith.constant 0 : i32
    return %arg0, %c0_i32 : i32, i32
  }
  func.func @transform_6(%arg0: i32) -> (i32, i32) {
    %c0_i32 = arith.constant 0 : i32
    %c0_i32_0 = arith.constant 0 : i32
    return %arg0, %c0_i32 : i32, i32
  }
}

</mosaic_0001>

<sc_bundles>
// kernel: kernel.11.cloned.1.call-start
scs
__scs_entry_jumppad:
0x0: {  	(pc) =	sbr.rel $0x88, $3  }
0x1: {  	(tag) =	ssettag $0x0;
	lr =	simm.s32 $0x1  }
0x2: {  	[smem:$0x3F9B] =	sst lr;
	_ =	strace $0xD0000000  }
0x3: {  	_ = 	snop  }
0x4: {  	_ = 	snop  }
0x5: {  	_ = 	snop  }
0x6: {  	_ = 	snop  }
0x7: {  	_ = 	snop  }
__scs_overlays_trampoline_lowered:
0x8: {  	[smem:$0x3FAA] =	sst s0  }
0x9: {  	[smem:$0x3FAB] =	sst s1  }
0xa: {  	[smem:$0x3FAC] =	sst s2  }
0xb: {  	[smem:$0x3FAD] =	sst s3  }
0xc: {  	[smem:$0x3FAE] =	sst s4  }
0xd: {  	[smem:$0x3FAF] =	sst s5  }
0xe: {  	[smem:$0x3FB0] =	sst s6  }
0xf: {  	[smem:$0x3FB1] =	sst s7  }
0x10: {  	[smem:$0x3FB2] =	sst s8  }
0x11: {  	[smem:$0x3FB3] =	sst s9;
	s0 =	simm.s32 @!p0 $0x0  }
0x12: {  	s1 =	sld [smem:$0x3F99];
	s0 =	simm.s32 @p0 $0x1  }
0x13: {  	[smem:$0x3FB4] =	sst s0;
	s0 =	simm.s32 @!p1 $0x0  }
0x14: {  	s2 =	sld [smem:$0x3F98];
	s0 =	simm.s32 @p1 $0x1  }
0x15: {  	[smem:$0x3FB5] =	sst s0;
	s0 =	simm.s32 @!p2 $0x0  }
0x16: {  	s3 =	sld [smem:$0x3FDB];
	s0 =	simm.s32 @p2 $0x1  }
0x17: {  	s4 =	simm.s32 $0x1BF5;
	[smem:$0x3FB7] =	sst s0  }
0x18: {  	s0 =	sld [smem:$0x3F9A];
	_ =	swait.ge [sflag:s4], $0x0  }
0x19: {  	s7 =	sld [smem:$0x3F9B]  }
0x1a: {  	s8 =	sadd.s32 $0xFFFFE003, lr  }
0x1b: {  	s9 =	sadd.s32 $0xFFFFFEF7, lr;
	s5 =	simm.s32 $0xFFFFFFFF;
	p2 =	slt.u32 s8, $0xFFFFF086  }
0x1c: {  	p1 =	slt.u32 s9, $0xF7A;
	s5 =	simm.s32 @!p2 $0x0  }
0x1d: {  	s5 =	simm.s32 @p1 $0x1;
	p0 =	seq.s32 s7, s2  }
0x1e: {  	s7 =	smul.u32 @!p0 $0xF7A, s2;
	p2 =	seq.s32 @!p0 s5, $0x0  }
0x1f: {  	s9 =	smul.u32 $0xF7A, s1;
	s8 =	simm.s32 @!p0 $0x1BF5;
	p2 =	por !p2, p0  }
0x20: {  	[sflag:s8] =	ssyncset.s32 @!p0 $0xFFFFF086;
	s6 =	sadd.s32 @!p0 s3, s7;
	s7 =	simm.s32 @!p0 $0x108  }
0x21: {  	s3 =	sadd.s32 s3, s9;
	s6 =	sadd.s32 @!p0 $0x88, s6;
	s7 =	simm.s32 @p2 $0x1082  }
0x22: {  	[simem:s7], [sflag:s8] =	dma.local @!p0 [hbm:s6], $0xF7A  }
0x23: {  	s9 =	sor.u32 $0xD0000000, s2;
	s6 =	simm.s32 $0x108;
	_ =	swait.ge @!p0 [sflag:s8], $0x0  }
0x24: {  	s3 =	sadd.s32 $0x88, s3;
	s6 =	simm.s32 @!p1 $0x1082;
	[sflag:s4] =	ssyncset.s32 $0xFFFFF086  }
0x25: {  	[simem:s6], [sflag:s4] =	dma.local [hbm:s3], $0xF7A  }
0x26: {  	[smem:$0x3F9B] =	sst s1;
	(tag) =	ssettag s2;
	_ =	strace s9  }
0x27: {  	s1 =	sld [smem:$0x3FAB]  }
0x28: {  	s2 =	sld [smem:$0x3FAC]  }
0x29: {  	s4 =	sld [smem:$0x3FAE]  }
0x2a: {  	p0 =	seq.s32 s5, $0x0;
	s5 =	sld [smem:$0x3FAF]  }
0x2b: {  	s6 =	sld [smem:$0x3FB0]  }
0x2c: {  	s7 =	sld [smem:$0x3FB1]  }
0x2d: {  	s3 =	simm.s32 $0x108;
	s8 =	sld [smem:$0x3FB2]  }
0x2e: {  	s3 =	simm.s32 @!p0 $0x1082;
	s9 =	sld [smem:$0x3FB3]  }
0x2f: {  	lr =	sadd.s32 s0, s3;
	s0 =	sld [smem:$0x3FAA]  }
0x30: {  	s3 =	sld [smem:$0x3FAD]  }
0x31: {  	[smem:$0x3FB6] =	sst s10  }
0x32: {  	s10 =	sld [smem:$0x3FB4];
	_ =	sdelay $0x3  }
0x33: {  	p0 =	seq.s32 s10, $0x1;
	s10 =	sld [smem:$0x3FB6];
	_ =	sdelay $0x3  }
0x34: {  	[smem:$0x3FB6] =	sst s10  }
0x35: {  	s10 =	sld [smem:$0x3FB5];
	_ =	sdelay $0x3  }
0x36: {  	p1 =	seq.s32 s10, $0x1;
	s10 =	sld [smem:$0x3FB6];
	_ =	sdelay $0x3  }
0x37: {  	[smem:$0x3FB6] =	sst s10  }
0x38: {  	s10 =	sld [smem:$0x3FB7]  }
0x39: {  	_ = 	snop;
	(pc) =	sbr.ind lr, $3  }
0x3a: {  	_ = 	snop  }
0x3b: {  	_ = 	snop  }
0x3c: {  	p2 =	seq.s32 s10, $0x1;
	s10 =	sld [smem:$0x3FB6]  }
0x3d: {  	_ =	shalt  }
0x3e: {  	_ =	shalt  }
0x3f: {  	_ =	shalt  }
0x40: {  	_ =	shalt  }
0x41: {  	_ =	shalt  }
0x42: {  	_ =	shalt  }
0x43: {  	_ =	shalt  }
0x44: {  	_ =	shalt  }
0x45: {  	_ =	shalt  }
0x46: {  	_ =	shalt  }
0x47: {  	_ =	shalt  }
0x48: {  	_ =	shalt  }
0x49: {  	_ =	shalt  }
0x4a: {  	_ =	shalt  }
0x4b: {  	_ =	shalt  }
0x4c: {  	_ =	shalt  }
0x4d: {  	_ =	shalt  }
0x4e: {  	_ =	shalt  }
0x4f: {  	_ =	shalt  }
0x50: {  	_ =	shalt  }
0x51: {  	_ =	shalt  }
0x52: {  	_ =	shalt  }
0x53: {  	_ =	shalt  }
0x54: {  	_ =	shalt  }
0x55: {  	_ =	shalt  }
0x56: {  	_ =	shalt  }
0x57: {  	_ =	shalt  }
0x58: {  	_ =	shalt  }
0x59: {  	_ =	shalt  }
0x5a: {  	_ =	shalt  }
0x5b: {  	_ =	shalt  }
0x5c: {  	_ =	shalt  }
0x5d: {  	_ =	shalt  }
0x5e: {  	_ =	shalt  }
0x5f: {  	_ =	shalt  }
0x60: {  	_ =	shalt  }
0x61: {  	_ =	shalt  }
0x62: {  	_ =	shalt  }
0x63: {  	_ =	shalt  }
0x64: {  	_ =	shalt  }
0x65: {  	_ =	shalt  }
0x66: {  	_ =	shalt  }
0x67: {  	_ =	shalt  }
0x68: {  	_ =	shalt  }
0x69: {  	_ =	shalt  }
0x6a: {  	_ =	shalt  }
0x6b: {  	_ =	shalt  }
0x6c: {  	_ =	shalt  }
0x6d: {  	_ =	shalt  }
0x6e: {  	_ =	shalt  }
0x6f: {  	_ =	shalt  }
0x70: {  	_ =	shalt  }
0x71: {  	_ =	shalt  }
0x72: {  	_ =	shalt  }
0x73: {  	_ =	shalt  }
0x74: {  	_ =	shalt  }
0x75: {  	_ =	shalt  }
0x76: {  	_ =	shalt  }
0x77: {  	_ =	shalt  }
0x78: {  	_ =	shalt  }
0x79: {  	_ =	shalt  }
0x7a: {  	_ =	shalt  }
0x7b: {  	_ =	shalt  }
0x7c: {  	_ =	shalt  }
0x7d: {  	_ =	shalt  }
0x7e: {  	_ =	shalt  }
0x7f: {  	_ =	shalt  }
0x80: {  	_ =	shalt  }
0x81: {  	_ =	shalt  }
0x82: {  	_ =	shalt  }
0x83: {  	_ =	shalt  }
0x84: {  	_ =	shalt  }
0x85: {  	_ =	shalt  }
0x86: {  	_ =	shalt  }
0x87: {  	_ =	shalt  }
.Lfunc_end0:
.L_simem_size_0:
called_computation.1_lowered:
.L_overlay_start_0:
0x88: {  	s2 =	sld [smem:$0x3FD9]  }
0x89: {  	s3 =	sld [smem:$0x3FFE];
	_ =	sdelay $0x1  }
0x8a: {  	s1 =	srdreg.scid  }
0x8b: {  	s0 =	sand.u32 $0x1, s1  }
0x8c: {  	s14 =	sshll.u32 s0, $0xA;
	s2 =	sadd.s32 s3, s2  }
0x8d: {  	s2 =	sadd.s32 s2, s14  }
0x8e: {  	[smem:$0x3FC2] =	sst s2  }
0x8f: {  	_ = 	snop  }
0x90: {  	s2 =	sld [smem:$0x3FD0];
	_ =	sdelay $0x2  }
0x91: {  	s15 =	simm.s32 $0xA;
	s4 =	simm.s32 $0x10  }
0x92: {  	[smem:s4], [sflag:s15] =	dma.local [hbm:s2], $0x1  }
0x93: {  	_ =	swait.eq [sflag:s15], $0x1  }
0x94: {  	s16 =	sld [smem:$0x10];
	[sflag:s15] =	ssyncset.done $0x0  }
0x95: {  	s17 =	sld [smem:$0x12];
	[sflag:s15] =	ssyncadd.s32 $0xFFFFFFFF  }
0x96: {  	s18 =	sld [smem:$0x14];
	(tm) =	ssettm $0x1  }
0x97: {  	s5 =	sld [smem:$0x3FFB];
	_ =	sdelay $0x3  }
0x98: {  	_ =	strace s5  }
0x99: {  	s5 =	sld [smem:$0x3FFC];
	_ =	sdelay $0x3  }
0x9a: {  	_ =	strace s5  }
0x9b: {  	s5 =	sld [smem:$0x3FFD];
	_ =	sdelay $0x3  }
0x9c: {  	_ =	strace s5  }
0x9d: {  	_ =	strace $0x8FFFFFFF  }
0x9e: {  	s19 =	sld [smem:$0x3FDB];
	_ =	sdelay $0x1  }
0x9f: {  	s6 =	simm.s32 $_scs_section_size  }
0xa0: {  	s7 =	simm.s32 $_size__tile_overlayer_lowered;
	s8 =	simm.s32 $_tile_overlayer_lowered  }
0xa1: {  	s22 =	simm.s32 $0x1BFF;
	s21 =	sshll.u32 s8, $0x1;
	s5 =	sadd.s32 s6, s19  }
0xa2: {  	s9 =	simm.s32 $0x0;
	s20 =	sshll.u32 s7, $0x1;
	s7 =	sadd.s32 s21, s5  }
0xa3: {  	[timem:s9], [sflag:s22] =	dma.local [hbm:s7], s20  }
0xa4: {  	_ =	swait.ge [sflag:s22], s20  }
0xa5: {  	s6 =	ssub.s32 $0x0, s20;
	[sflag:s22] =	ssyncset.done $0x0  }
0xa6: {  	[sflag:s22] =	ssyncadd.s32 s6;
	_ =	sdelay $0x1  }
0xa7: {  	s23 =	simm.s32 $0x1B8B  }
0xa8: {  	_ =	swait.ge [sflag:s23], $0x1  }
0xa9: {  	[sflag:s23] =	ssyncset.done $0x0  }
0xaa: {  	s25 =	simm.s32 $0x1B8E;
	s24 =	sld [smem:$0x3FFE];
	[sflag:s23] =	ssyncadd.s32 $0xFFFFFFFF  }
0xab: {  	s26 =	simm.s32 $execute0_lowered;
	[smem:$0x3FD2] =	sst s25  }
0xac: {  	s7 =	sshll.u32 s26, $0x1;
	_ =	strace $0x80000049;
	[dreg:$0x1] =	wrdreg $0xFFFFFFFF  }
0xad: {  	s28 =	simm.s32 $_size_execute0_lowered;
	s5 =	sadd.s32 s5, s7;
	[dreg:$0x0] =	wrdreg $0x0  }
0xae: {  	s7 =	sshll.u32 s28, $0x1;
	[dreg:$0x2] =	wrdreg s5  }
0xaf: {  	[dreg:$0x3] =	wrdreg s7  }
0xb0: {  	[dreg:$0x4] =	wrdreg $0xC0  }
0xb1: {  	_ =	task [dreg:s9], $0x5FFFF  }
0xb2: {  	[dreg:$0x1] =	wrdreg $0xFFFFFFFF  }
0xb3: {  	[dreg:$0x0] =	wrdreg $0x60  }
0xb4: {  	[dreg:$0x2] =	wrdreg s17  }
0xb5: {  	[dreg:$0x3] =	wrdreg s16  }
0xb6: {  	[dreg:$0x4] =	wrdreg s18  }
0xb7: {  	[dreg:$0x5] =	wrdreg s24  }
0xb8: {  	[dreg:$0x6] =	wrdreg $0x0  }
0xb9: {  	[dreg:$0x7] =	wrdreg $0x9  }
0xba: {  	_ =	task.clear_ibuf [dreg:s9], $0x8FFFF;
	_ =	strace $0x90000049  }
0xbb: {  	s29 =	simm.s32 $0x9;
	_ =	strace $0x8000004B  }
0xbc: {  	_ =	swait.ge [sflag:s29], $0x1  }
0xbd: {  	[sflag:s29] =	ssyncadd.s32 $0xFFFFFFFF  }
0xbe: {  	_ =	strace $0x9000004B  }
0xbf: {  	_ =	sfence  }
0xc0: {  	s30 =	sld [smem:$0x0];
	_ =	sdelay $0x2  }
0xc1: {  	s31 =	sshll.u32 s1, $0xD;
	s1 =	sshrl.u32 s1, $0x2  }
0xc2: {  	s3 =	sand.u32 $0x4000, s31;
	s1 =	sadd.s32 s1, s30  }
0xc3: {  	s0 =	sor.u32 s3, s0;
	s1 =	sshll.u32 s1, $0x11  }
0xc4: {  	s0 =	sor.u32 s1, s0  }
0xc5: {  	s0 =	sadd.s32 $0x8F2B, s0  }
0xc6: {  	[sflag:s0] =	ssyncadd.remote.s32 $0x1  }
0xc7: {  	_ =	sfence.sel $0xFFFF  }
0xc8: {  	[dreg:$0x0] =	wrdreg $0xFFFFFFFF;
	(pc) =	sbr.abs _section_cstart, $3  }
0xc9: {  	[dreg:$0x1] =	wrdreg $0xFFFFFFFF  }
0xca: {  	_ =	task.clear_ibuf [dreg:s9], $0x2FFFF;
	_ =	strace $0x9FFFFFFF  }
0xcb: {  	(tm) =	ssettm $0x7FFFFFFF  }
tec
execute0_lowered:
.L_overlay_start_1:
0x0: {  	(tag) =	ssettag $0x1  }
0x1: {  	s1 =	rddreg [dreg:$0x0]  }
0x2: {  	s7 =	rddreg [dreg:$0x1]  }
0x3: {  	s2 =	rddreg [dreg:$0x2]  }
0x4: {  	s8 =	rddreg [dreg:$0x3];
	s0 =	stileid.u32  }
0x5: {  	s3 =	srdreg.scid;
	s4 =	rddreg [dreg:$0x4];
	s5 =	simm.s32 $0x0  }
0x6: {  	s17 =	simm.s32 $0x16800;
	s18 =	simm.s32 $0x80;
	s19 =	simm.s32 $0x16900  }
0x7: {  	s20 =	simm.s32 $0x16880;
	s22 =	simm.s32 $0x1A900;
	s23 =	simm.s32 $0x1  }
0x8: {  	s24 =	simm.s32 $0x3;
	s25 =	simm.s32 $0x2;
	s9 =	smul.u32 $0x14000, s0  }
0x9: {  	s28 =	simm.s32 $0x0;
	s10 =	sand.u32 $0x1, s3;
	s13 =	smul.u32 $0x50000, s0  }
0xa: {  	[smem:$0x7FF] =	sst s5;
	s15 =	sshll.u32 s0, $0x6;
	s6 =	smul.u32 $0x140000, s10  }
0xb: {  	_ =	strace $0x8000004A;
	s12 =	smul.u32 $0x28000, s10;
	s26 =	ssub.s32 $0x2, s10  }
0xc: {  	s15 =	sor.u32 $0x1C05, s15;
	s10 =	sshrl.u32 s26, $0x1;
	s31 =	sshrl.u32 s13, $0x2  }
0xd: {  	s13 =	simm.s32 $0x14000;
	s11 =	sadd.s32 s9, s6;
	s6 =	smul.u32 $0x2800, s0  }
0xe: {  	s9 =	sshrl.u32 s9, $0x3;
	s14 =	ssub.s32 s26, s10;
	s16 =	sadd.s32 s31, s4  }
0xf: {  	s26 =	simm.s32 $0x4;
	s11 =	sshrl.u32 s11, $0x3;
	s9 =	sadd.s32 s9, s8  }
0x10: {  	s16 =	sshrl.u32 s16, $0x3;
	s11 =	sadd.s32 s11, s8;
	s12 =	sadd.s32 s6, s12  }
0x11: {  	s30 =	sshrl.u32 s6, $0x3;
	s9 =	sadd.s32 $0x1A00, s9;
	s29 =	sshrl.u32 s12, $0x3  }
0x12: {  	s8 =	sadd.s32 s2, s30;
	s11 =	sadd.s32 $0x29A00, s11;
	s12 =	smax.u32 s14, $0x1  }
0x13: {  	s14 =	simm.s32 $0x5;
	s7 =	sadd.s32 s7, s29;
	s10 =	sadd.s32 $0x10, s8  }
.LBB2_1:
0x14: {  	[tilespmem:s13], [sflag:$0x5] =	stream.linear.gather [hbm4b:s7+s5], $0x2800, $0x38;
	[tilespmem:$0x1E900] =	vst v63  }
0x15: {  	_ =	swait.ge [sflag:s14], $0x2800  }
0x16: {  	[sflag:s14] =	ssyncset.done $0x0  }
0x17: {  	[sflag:s14] =	ssyncadd.s32 $0xFFFFD800  }
0x18: {  	[spmem:s16], [sflag:s15] =	dma.local [hbm:s9], $0x2800  }
0x19: {  	_ =	swait.ge [sflag:s14], $0x2800  }
0x1a: {  	[sflag:s14] =	ssyncset.done $0x0  }
0x1b: {  	[sflag:s14] =	ssyncadd.s32 $0xFFFFD800  }
0x1c: {  	[bflag:$0x0] =	sbarrier.arrive $0xFFFF  }
0x1d: {  	[tilespmem:s17], [sflag:$0x3] =	stream.linear.gather [hbm4b:s8+s5], $0x80, $0x38;
	[tilespmem:$0x1E900] =	vst v63  }
0x1e: {  	_ = 	snop  }
0x1f: {  	[tilespmem:s19], [sflag:$0x1] =	stream.indirect.gather [hbm4b:s1+s18], $0x80, s13, s18, $0xb8;
	[tilespmem:$0x1E900] =	vst v63  }
0x20: {  	_ = 	snop  }
0x21: {  	[tilespmem:s20], [sflag:$0x4] =	stream.linear.gather [hbm4b:s10+s5], $0x80, $0x38;
	[tilespmem:$0x1E900] =	vst v63  }
0x22: {  	s0 =	simm.s32 $0x14080  }
0x23: {  	[tilespmem:s22], [sflag:$0x2] =	stream.indirect.gather [hbm4b:s1+s18], $0x80, s0, s18, $0xb8;
	[tilespmem:$0x1E900] =	vst v63  }
0x24: {  	_ =	swait.ge [sflag:s23], $0x4000  }
0x25: {  	[sflag:s23] =	ssyncset.done $0x0  }
0x26: {  	[sflag:s23] =	ssyncadd.s32 $0xFFFFC000  }
0x27: {  	s29 =	simm.s32 $0x100;
	_ =	swait.ge [sflag:s24], $0x80  }
0x28: {  	s30 =	sand.u32 $0x7C00, s29;
	[sflag:s24] =	ssyncset.done $0x0  }
0x29: {  	s29 =	sand.u32 $0x300, s29;
	s30 =	sadd.s32 s6, s30;
	[sflag:s24] =	ssyncadd.s32 $0xFFFFFF80  }
0x2a: {  	[spmem:s4] =	stream.indirect.scatter.add.f32 [tilespmem:s19], [sflag:$0x5], $0x80, s17, s18, $0xb8;
	[tilespmem:$0x1E900] =	vst v63  }
0x2b: {  	s29 =	sor.u32 s29, s30;
	_ =	swait.ge [sflag:s14], $0x4000  }
0x2c: {  	s29 =	sshrl.u32 s29, $0x3;
	[sflag:s14] =	ssyncset.done $0x0  }
0x2d: {  	s29 =	sadd.s32 s2, s29;
	[sflag:s14] =	ssyncadd.s32 $0xFFFFC000  }
0x2e: {  	[tilespmem:s17], [sflag:$0x3] =	stream.linear.gather [hbm4b:s29+s5], $0x80, $0x38;
	[tilespmem:$0x1E900] =	vst v63  }
0x2f: {  	s29 =	simm.s32 $0x14100  }
0x30: {  	[tilespmem:s19], [sflag:$0x1] =	stream.indirect.gather [hbm4b:s1+s18], $0x80, s29, s18, $0xb8;
	[tilespmem:$0x1E900] =	vst v63  }
0x31: {  	_ =	swait.ge [sflag:s25], $0x4000  }
0x32: {  	[sflag:s25] =	ssyncset.done $0x0  }
0x33: {  	[sflag:s25] =	ssyncadd.s32 $0xFFFFC000  }
0x34: {  	s29 =	simm.s32 $0x180;
	_ =	swait.ge [sflag:s26], $0x80  }
0x35: {  	s30 =	sand.u32 $0x7C00, s29;
	[sflag:s26] =	ssyncset.done $0x0  }
0x36: {  	s29 =	sand.u32 $0x380, s29;
	s30 =	sadd.s32 s6, s30;
	[sflag:s26] =	ssyncadd.s32 $0xFFFFFF80  }
0x37: {  	[spmem:s4] =	stream.indirect.scatter.add.f32 [tilespmem:s22], [sflag:$0x5], $0x80, s20, s18, $0xb8;
	[tilespmem:$0x1E900] =	vst v63  }
0x38: {  	s29 =	sor.u32 s29, s30;
	_ =	swait.ge [sflag:s14], $0x4000  }
0x39: {  	s29 =	sshrl.u32 s29, $0x3;
	[sflag:s14] =	ssyncset.done $0x0  }
0x3a: {  	s29 =	sadd.s32 s2, s29;
	[sflag:s14] =	ssyncadd.s32 $0xFFFFC000  }
0x3b: {  	[tilespmem:s20], [sflag:$0x4] =	stream.linear.gather [hbm4b:s29+s5], $0x80, $0x38;
	[tilespmem:$0x1E900] =	vst v63  }
0x3c: {  	s31 =	simm.s32 $0x14200;
	s30 =	simm.s32 $0x14180;
	s29 =	simm.s32 $0x280  }
.LBB2_2:
0x3d: {  	s3 =	sadd.s32 $0x80, s31  }
0x3e: {  	p0 =	sne.s32 s29, $0x2780;
	s0 =	smov.u32 s29;
	s29 =	sadd.s32 $0x100, s29  }
0x3f: {  	[tilespmem:s22], [sflag:$0x2] =	stream.indirect.gather [hbm4b:s1+s18], $0x80, s30, s18, $0xb8;
	[tilespmem:$0x1E900] =	vst v63  }
0x40: {  	s30 =	smov.u32 s3;
	_ =	swait.ge [sflag:s23], $0x4000  }
0x41: {  	[sflag:s23] =	ssyncset.done $0x0  }
0x42: {  	[sflag:s23] =	ssyncadd.s32 $0xFFFFC000  }
0x43: {  	_ =	swait.ge [sflag:s24], $0x80  }
0x44: {  	s3 =	sadd.s32 $0xFFFFFF80, s0;
	[sflag:s24] =	ssyncset.done $0x0  }
0x45: {  	s21 =	sand.u32 $0x7C00, s3;
	s3 =	sand.u32 $0x300, s3;
	[sflag:s24] =	ssyncadd.s32 $0xFFFFFF80  }
0x46: {  	[spmem:s4] =	stream.indirect.scatter.add.f32 [tilespmem:s19], [sflag:$0x5], $0x80, s17, s18, $0xb8;
	[tilespmem:$0x1E900] =	vst v63  }
0x47: {  	s21 =	sadd.s32 s6, s21;
	_ =	swait.ge [sflag:s14], $0x4000  }
0x48: {  	s3 =	sor.u32 s3, s21;
	[sflag:s14] =	ssyncset.done $0x0  }
0x49: {  	s3 =	sshrl.u32 s3, $0x3;
	[sflag:s14] =	ssyncadd.s32 $0xFFFFC000  }
0x4a: {  	s3 =	sadd.s32 s2, s3  }
0x4b: {  	[tilespmem:s17], [sflag:$0x3] =	stream.linear.gather [hbm4b:s3+s5], $0x80, $0x38;
	[tilespmem:$0x1E900] =	vst v63  }
0x4c: {  	_ = 	snop  }
0x4d: {  	[tilespmem:s19], [sflag:$0x1] =	stream.indirect.gather [hbm4b:s1+s18], $0x80, s31, s18, $0xb8;
	[tilespmem:$0x1E900] =	vst v63  }
0x4e: {  	_ =	swait.ge [sflag:s25], $0x4000  }
0x4f: {  	[sflag:s25] =	ssyncset.done $0x0  }
0x50: {  	[sflag:s25] =	ssyncadd.s32 $0xFFFFC000  }
0x51: {  	_ =	swait.ge [sflag:s26], $0x80  }
0x52: {  	s3 =	sand.u32 $0x7C00, s0;
	[sflag:s26] =	ssyncset.done $0x0  }
0x53: {  	s0 =	sand.u32 $0x380, s0;
	s3 =	sadd.s32 s6, s3;
	[sflag:s26] =	ssyncadd.s32 $0xFFFFFF80  }
0x54: {  	[spmem:s4] =	stream.indirect.scatter.add.f32 [tilespmem:s22], [sflag:$0x5], $0x80, s20, s18, $0xb8;
	[tilespmem:$0x1E900] =	vst v63  }
.Ltmp0:
0x55: {  	_ = 	snop;
	(pc) =	sbr.rel @p0 .LBB2_2-.Ltmp0, $4  }
0x56: {  	s0 =	sor.u32 s0, s3;
	_ =	swait.ge [sflag:s14], $0x4000  }
0x57: {  	s0 =	sshrl.u32 s0, $0x3;
	[sflag:s14] =	ssyncset.done $0x0  }
0x58: {  	s31 =	sadd.s32 $0x100, s31;
	s0 =	sadd.s32 s2, s0;
	[sflag:s14] =	ssyncadd.s32 $0xFFFFC000  }
0x59: {  	[tilespmem:s20], [sflag:$0x4] =	stream.linear.gather [hbm4b:s0+s5], $0x80, $0x38;
	[tilespmem:$0x1E900] =	vst v63  }
0x5a: {  	[tilespmem:s22], [sflag:$0x2] =	stream.indirect.gather [hbm4b:s1+s18], $0x80, s30, s18, $0xb8;
	[tilespmem:$0x1E900] =	vst v63  }
0x5b: {  	_ =	swait.ge [sflag:s23], $0x4000  }
0x5c: {  	[sflag:s23] =	ssyncset.done $0x0  }
0x5d: {  	[sflag:s23] =	ssyncadd.s32 $0xFFFFC000  }
0x5e: {  	_ =	swait.ge [sflag:s24], $0x80  }
0x5f: {  	[sflag:s24] =	ssyncset.done $0x0  }
0x60: {  	[sflag:s24] =	ssyncadd.s32 $0xFFFFFF80  }
0x61: {  	[spmem:s4] =	stream.indirect.scatter.add.f32 [tilespmem:s19], [sflag:$0x5], $0x80, s17, s18, $0xb8;
	[tilespmem:$0x1E900] =	vst v63  }
0x62: {  	_ =	swait.ge [sflag:s14], $0x4000  }
0x63: {  	[sflag:s14] =	ssyncset.done $0x0  }
0x64: {  	[sflag:s14] =	ssyncadd.s32 $0xFFFFC000  }
0x65: {  	_ =	swait.ge [sflag:s25], $0x4000  }
0x66: {  	[sflag:s25] =	ssyncset.done $0x0  }
0x67: {  	[sflag:s25] =	ssyncadd.s32 $0xFFFFC000  }
0x68: {  	_ =	swait.ge [sflag:s26], $0x80  }
0x69: {  	[sflag:s26] =	ssyncset.done $0x0  }
0x6a: {  	[sflag:s26] =	ssyncadd.s32 $0xFFFFFF80  }
0x6b: {  	[spmem:s4] =	stream.indirect.scatter.add.f32 [tilespmem:s22], [sflag:$0x5], $0x80, s20, s18, $0xb8;
	[tilespmem:$0x1E900] =	vst v63  }
0x6c: {  	_ =	swait.ge [sflag:s14], $0x4000  }
0x6d: {  	s28 =	sadd.s32 $0x1, s28;
	[sflag:s14] =	ssyncset.done $0x0  }
0x6e: {  	p0 =	sne.s32 s28, s12;
	[sflag:s14] =	ssyncadd.s32 $0xFFFFC000  }
.Ltmp1:
0x6f: {  	[bflag:$0x0] =	sbarrier.arrive $0xFFFF;
	(pc) =	sbr.rel @p0 .LBB2_1-.Ltmp1, $4  }
0x70: {  	[hbm:s11], [sflag:s15] =	dma.local [spmem:s16], $0x2800  }
0x71: {  	_ =	swait.ge [sflag:s14], $0x2800  }
0x72: {  	[sflag:s14] =	ssyncset.done $0x0  }
0x73: {  	[sflag:s14] =	ssyncadd.s32 $0xFFFFD800  }
0x74: {  	_ =	sfence.sel $0x180000  }
0x75: {  	[bflag:$0x0] =	sbarrier.arrive $0xFFFF  }
0x76: {  	_ =	strace $0x9000004A  }
0x77: {  	s0 =	stileid.u32;
	[bflag:$0x2] =	sbarrier.arrive $0xFFFF  }
0x78: {  	p0 =	sne.s32 s0, $0x0;
	s0 =	rddreg [dreg:$0x5]  }
0x79: {  	s0 =	sadd.s32 @!p0 $0x100000, s0  }
0x7a: {  	[sflag:s0] =	ssyncadd.tile.s32 @!p0 $0x1;
	_ =	shalt  }
.Lfunc_end2:
_tile_overlayer_lowered:
.L_overlay_start_2:
0x7b: {  	(tag) =	ssettag $0x2  }
0x7c: {  	s0 =	rddreg [dreg:$0x0];
	s2 =	stileid.u32  }
0x7d: {  	s1 =	rddreg [dreg:$0x1];
	p0 =	sne.s32 s2, $0x0  }
0x7e: {  	s3 =	rddreg [dreg:$0x2];
	[bflag:$0x3] =	sbarrier.arrive $0xFFFF;
	s2 =	simm.s32 @!p0 $0x1C05  }
0x7f: {  	[timem:s3], [sflag:s2] =	dma.local @!p0 [hbm:s0], s1  }
0x80: {  	s0 =	simm.s32 @!p0 $0x5  }
0x81: {  	_ =	swait.ge @!p0 [sflag:s0], s1  }
0x82: {  	s1 =	ssub.s32 @!p0 $0x0, s1;
	[sflag:s0] =	ssyncset.done @!p0 $0x0  }
0x83: {  	[sflag:s0] =	ssyncadd.s32 @!p0 s1  }
0x84: {  	[bflag:$0x3] =	sbarrier.arrive $0xFFFF  }
0x85: {  	_ =	shalt  }

// kernel: kernel.14.cloned.1.call-start
scs
__scs_entry_jumppad:
0x0: {  	(pc) =	sbr.rel $0x88, $3  }
0x1: {  	(tag) =	ssettag $0x0;
	lr =	simm.s32 $0x1  }
0x2: {  	[smem:$0x3F9B] =	sst lr;
	_ =	strace $0xD0000000  }
0x3: {  	_ = 	snop  }
0x4: {  	_ = 	snop  }
0x5: {  	_ = 	snop  }
0x6: {  	_ = 	snop  }
0x7: {  	_ = 	snop  }
__scs_overlays_trampoline_lowered:
0x8: {  	[smem:$0x3FAA] =	sst s0  }
0x9: {  	[smem:$0x3FAB] =	sst s1  }
0xa: {  	[smem:$0x3FAC] =	sst s2  }
0xb: {  	[smem:$0x3FAD] =	sst s3  }
0xc: {  	[smem:$0x3FAE] =	sst s4  }
0xd: {  	[smem:$0x3FAF] =	sst s5  }
0xe: {  	[smem:$0x3FB0] =	sst s6  }
0xf: {  	[smem:$0x3FB1] =	sst s7  }
0x10: {  	[smem:$0x3FB2] =	sst s8  }
0x11: {  	[smem:$0x3FB3] =	sst s9;
	s0 =	simm.s32 @!p0 $0x0  }
0x12: {  	s1 =	sld [smem:$0x3F99];
	s0 =	simm.s32 @p0 $0x1  }
0x13: {  	[smem:$0x3FB4] =	sst s0;
	s0 =	simm.s32 @!p1 $0x0  }
0x14: {  	s2 =	sld [smem:$0x3F98];
	s0 =	simm.s32 @p1 $0x1  }
0x15: {  	[smem:$0x3FB5] =	sst s0;
	s0 =	simm.s32 @!p2 $0x0  }
0x16: {  	s3 =	sld [smem:$0x3FDB];
	s0 =	simm.s32 @p2 $0x1  }
0x17: {  	s4 =	simm.s32 $0x1BF5;
	[smem:$0x3FB7] =	sst s0  }
0x18: {  	s0 =	sld [smem:$0x3F9A];
	_ =	swait.ge [sflag:s4], $0x0  }
0x19: {  	s7 =	sld [smem:$0x3F9B]  }
0x1a: {  	s8 =	sadd.s32 $0xFFFFE003, lr  }
0x1b: {  	s9 =	sadd.s32 $0xFFFFFEF7, lr;
	s5 =	simm.s32 $0xFFFFFFFF;
	p2 =	slt.u32 s8, $0xFFFFF086  }
0x1c: {  	p1 =	slt.u32 s9, $0xF7A;
	s5 =	simm.s32 @!p2 $0x0  }
0x1d: {  	s5 =	simm.s32 @p1 $0x1;
	p0 =	seq.s32 s7, s2  }
0x1e: {  	s7 =	smul.u32 @!p0 $0xF7A, s2;
	p2 =	seq.s32 @!p0 s5, $0x0  }
0x1f: {  	s9 =	smul.u32 $0xF7A, s1;
	s8 =	simm.s32 @!p0 $0x1BF5;
	p2 =	por !p2, p0  }
0x20: {  	[sflag:s8] =	ssyncset.s32 @!p0 $0xFFFFF086;
	s6 =	sadd.s32 @!p0 s3, s7;
	s7 =	simm.s32 @!p0 $0x108  }
0x21: {  	s3 =	sadd.s32 s3, s9;
	s6 =	sadd.s32 @!p0 $0x88, s6;
	s7 =	simm.s32 @p2 $0x1082  }
0x22: {  	[simem:s7], [sflag:s8] =	dma.local @!p0 [hbm:s6], $0xF7A  }
0x23: {  	s9 =	sor.u32 $0xD0000000, s2;
	s6 =	simm.s32 $0x108;
	_ =	swait.ge @!p0 [sflag:s8], $0x0  }
0x24: {  	s3 =	sadd.s32 $0x88, s3;
	s6 =	simm.s32 @!p1 $0x1082;
	[sflag:s4] =	ssyncset.s32 $0xFFFFF086  }
0x25: {  	[simem:s6], [sflag:s4] =	dma.local [hbm:s3], $0xF7A  }
0x26: {  	[smem:$0x3F9B] =	sst s1;
	(tag) =	ssettag s2;
	_ =	strace s9  }
0x27: {  	s1 =	sld [smem:$0x3FAB]  }
0x28: {  	s2 =	sld [smem:$0x3FAC]  }
0x29: {  	s4 =	sld [smem:$0x3FAE]  }
0x2a: {  	p0 =	seq.s32 s5, $0x0;
	s5 =	sld [smem:$0x3FAF]  }
0x2b: {  	s6 =	sld [smem:$0x3FB0]  }
0x2c: {  	s7 =	sld [smem:$0x3FB1]  }
0x2d: {  	s3 =	simm.s32 $0x108;
	s8 =	sld [smem:$0x3FB2]  }
0x2e: {  	s3 =	simm.s32 @!p0 $0x1082;
	s9 =	sld [smem:$0x3FB3]  }
0x2f: {  	lr =	sadd.s32 s0, s3;
	s0 =	sld [smem:$0x3FAA]  }
0x30: {  	s3 =	sld [smem:$0x3FAD]  }
0x31: {  	[smem:$0x3FB6] =	sst s10  }
0x32: {  	s10 =	sld [smem:$0x3FB4];
	_ =	sdelay $0x3  }
0x33: {  	p0 =	seq.s32 s10, $0x1;
	s10 =	sld [smem:$0x3FB6];
	_ =	sdelay $0x3  }
0x34: {  	[smem:$0x3FB6] =	sst s10  }
0x35: {  	s10 =	sld [smem:$0x3FB5];
	_ =	sdelay $0x3  }
0x36: {  	p1 =	seq.s32 s10, $0x1;
	s10 =	sld [smem:$0x3FB6];
	_ =	sdelay $0x3  }
0x37: {  	[smem:$0x3FB6] =	sst s10  }
0x38: {  	s10 =	sld [smem:$0x3FB7]  }
0x39: {  	_ = 	snop;
	(pc) =	sbr.ind lr, $3  }
0x3a: {  	_ = 	snop  }
0x3b: {  	_ = 	snop  }
0x3c: {  	p2 =	seq.s32 s10, $0x1;
	s10 =	sld [smem:$0x3FB6]  }
0x3d: {  	_ =	shalt  }
0x3e: {  	_ =	shalt  }
0x3f: {  	_ =	shalt  }
0x40: {  	_ =	shalt  }
0x41: {  	_ =	shalt  }
0x42: {  	_ =	shalt  }
0x43: {  	_ =	shalt  }
0x44: {  	_ =	shalt  }
0x45: {  	_ =	shalt  }
0x46: {  	_ =	shalt  }
0x47: {  	_ =	shalt  }
0x48: {  	_ =	shalt  }
0x49: {  	_ =	shalt  }
0x4a: {  	_ =	shalt  }
0x4b: {  	_ =	shalt  }
0x4c: {  	_ =	shalt  }
0x4d: {  	_ =	shalt  }
0x4e: {  	_ =	shalt  }
0x4f: {  	_ =	shalt  }
0x50: {  	_ =	shalt  }
0x51: {  	_ =	shalt  }
0x52: {  	_ =	shalt  }
0x53: {  	_ =	shalt  }
0x54: {  	_ =	shalt  }
0x55: {  	_ =	shalt  }
0x56: {  	_ =	shalt  }
0x57: {  	_ =	shalt  }
0x58: {  	_ =	shalt  }
0x59: {  	_ =	shalt  }
0x5a: {  	_ =	shalt  }
0x5b: {  	_ =	shalt  }
0x5c: {  	_ =	shalt  }
0x5d: {  	_ =	shalt  }
0x5e: {  	_ =	shalt  }
0x5f: {  	_ =	shalt  }
0x60: {  	_ =	shalt  }
0x61: {  	_ =	shalt  }
0x62: {  	_ =	shalt  }
0x63: {  	_ =	shalt  }
0x64: {  	_ =	shalt  }
0x65: {  	_ =	shalt  }
0x66: {  	_ =	shalt  }
0x67: {  	_ =	shalt  }
0x68: {  	_ =	shalt  }
0x69: {  	_ =	shalt  }
0x6a: {  	_ =	shalt  }
0x6b: {  	_ =	shalt  }
0x6c: {  	_ =	shalt  }
0x6d: {  	_ =	shalt  }
0x6e: {  	_ =	shalt  }
0x6f: {  	_ =	shalt  }
0x70: {  	_ =	shalt  }
0x71: {  	_ =	shalt  }
0x72: {  	_ =	shalt  }
0x73: {  	_ =	shalt  }
0x74: {  	_ =	shalt  }
0x75: {  	_ =	shalt  }
0x76: {  	_ =	shalt  }
0x77: {  	_ =	shalt  }
0x78: {  	_ =	shalt  }
0x79: {  	_ =	shalt  }
0x7a: {  	_ =	shalt  }
0x7b: {  	_ =	shalt  }
0x7c: {  	_ =	shalt  }
0x7d: {  	_ =	shalt  }
0x7e: {  	_ =	shalt  }
0x7f: {  	_ =	shalt  }
0x80: {  	_ =	shalt  }
0x81: {  	_ =	shalt  }
0x82: {  	_ =	shalt  }
0x83: {  	_ =	shalt  }
0x84: {  	_ =	shalt  }
0x85: {  	_ =	shalt  }
0x86: {  	_ =	shalt  }
0x87: {  	_ =	shalt  }
.Lfunc_end0:
.L_simem_size_0:
called_computation.2_lowered:
.L_overlay_start_0:
0x88: {  	s2 =	sld [smem:$0x3FD9]  }
0x89: {  	s3 =	sld [smem:$0x3FFE];
	_ =	sdelay $0x1  }
0x8a: {  	s1 =	srdreg.scid  }
0x8b: {  	s0 =	sand.u32 $0x1, s1  }
0x8c: {  	s14 =	sshll.u32 s0, $0xA;
	s2 =	sadd.s32 s3, s2  }
0x8d: {  	s2 =	sadd.s32 s2, s14  }
0x8e: {  	[smem:$0x3FC2] =	sst s2  }
0x8f: {  	_ = 	snop  }
0x90: {  	s2 =	sld [smem:$0x3FD0];
	_ =	sdelay $0x2  }
0x91: {  	s15 =	simm.s32 $0xA;
	s4 =	simm.s32 $0x10  }
0x92: {  	[smem:s4], [sflag:s15] =	dma.local [hbm:s2], $0x1  }
0x93: {  	_ =	swait.eq [sflag:s15], $0x1  }
0x94: {  	s16 =	sld [smem:$0x10];
	[sflag:s15] =	ssyncset.done $0x0  }
0x95: {  	s17 =	sld [smem:$0x12];
	[sflag:s15] =	ssyncadd.s32 $0xFFFFFFFF  }
0x96: {  	s18 =	sld [smem:$0x14];
	(tm) =	ssettm $0x1  }
0x97: {  	s5 =	sld [smem:$0x3FFB];
	_ =	sdelay $0x3  }
0x98: {  	_ =	strace s5  }
0x99: {  	s5 =	sld [smem:$0x3FFC];
	_ =	sdelay $0x3  }
0x9a: {  	_ =	strace s5  }
0x9b: {  	s5 =	sld [smem:$0x3FFD];
	_ =	sdelay $0x3  }
0x9c: {  	_ =	strace s5  }
0x9d: {  	_ =	strace $0x8FFFFFFF  }
0x9e: {  	s19 =	sld [smem:$0x3FDB];
	_ =	sdelay $0x1  }
0x9f: {  	s6 =	simm.s32 $_scs_section_size  }
0xa0: {  	s7 =	simm.s32 $_size__tile_overlayer_lowered;
	s8 =	simm.s32 $_tile_overlayer_lowered  }
0xa1: {  	s22 =	simm.s32 $0x1BFF;
	s21 =	sshll.u32 s8, $0x1;
	s5 =	sadd.s32 s6, s19  }
0xa2: {  	s9 =	simm.s32 $0x0;
	s20 =	sshll.u32 s7, $0x1;
	s7 =	sadd.s32 s21, s5  }
0xa3: {  	[timem:s9], [sflag:s22] =	dma.local [hbm:s7], s20  }
0xa4: {  	_ =	swait.ge [sflag:s22], s20  }
0xa5: {  	s6 =	ssub.s32 $0x0, s20;
	[sflag:s22] =	ssyncset.done $0x0  }
0xa6: {  	[sflag:s22] =	ssyncadd.s32 s6;
	_ =	sdelay $0x1  }
0xa7: {  	s23 =	simm.s32 $0x1B8B  }
0xa8: {  	_ =	swait.ge [sflag:s23], $0x1  }
0xa9: {  	[sflag:s23] =	ssyncset.done $0x0  }
0xaa: {  	s25 =	simm.s32 $0x1B8E;
	s24 =	sld [smem:$0x3FFE];
	[sflag:s23] =	ssyncadd.s32 $0xFFFFFFFF  }
0xab: {  	s26 =	simm.s32 $execute0_lowered;
	[smem:$0x3FD2] =	sst s25  }
0xac: {  	s7 =	sshll.u32 s26, $0x1;
	_ =	strace $0x8000004C;
	[dreg:$0x1] =	wrdreg $0xFFFFFFFF  }
0xad: {  	s28 =	simm.s32 $_size_execute0_lowered;
	s5 =	sadd.s32 s5, s7;
	[dreg:$0x0] =	wrdreg $0x0  }
0xae: {  	s7 =	sshll.u32 s28, $0x1;
	[dreg:$0x2] =	wrdreg s5  }
0xaf: {  	[dreg:$0x3] =	wrdreg s7  }
0xb0: {  	[dreg:$0x4] =	wrdreg $0xC0  }
0xb1: {  	_ =	task [dreg:s9], $0x5FFFF  }
0xb2: {  	[dreg:$0x1] =	wrdreg $0xFFFFFFFF  }
0xb3: {  	[dreg:$0x0] =	wrdreg $0x60  }
0xb4: {  	[dreg:$0x2] =	wrdreg s17  }
0xb5: {  	[dreg:$0x3] =	wrdreg s16  }
0xb6: {  	[dreg:$0x4] =	wrdreg s18  }
0xb7: {  	[dreg:$0x5] =	wrdreg s24  }
0xb8: {  	[dreg:$0x6] =	wrdreg $0x0  }
0xb9: {  	[dreg:$0x7] =	wrdreg $0x9  }
0xba: {  	_ =	task.clear_ibuf [dreg:s9], $0x8FFFF;
	_ =	strace $0x9000004C  }
0xbb: {  	s29 =	simm.s32 $0x9;
	_ =	strace $0x8000004E  }
0xbc: {  	_ =	swait.ge [sflag:s29], $0x1  }
0xbd: {  	[sflag:s29] =	ssyncadd.s32 $0xFFFFFFFF  }
0xbe: {  	_ =	strace $0x9000004E  }
0xbf: {  	_ =	sfence  }
0xc0: {  	s30 =	sld [smem:$0x0];
	_ =	sdelay $0x2  }
0xc1: {  	s31 =	sshll.u32 s1, $0xD;
	s1 =	sshrl.u32 s1, $0x2  }
0xc2: {  	s3 =	sand.u32 $0x4000, s31;
	s1 =	sadd.s32 s1, s30  }
0xc3: {  	s0 =	sor.u32 s3, s0;
	s1 =	sshll.u32 s1, $0x11  }
0xc4: {  	s0 =	sor.u32 s1, s0  }
0xc5: {  	s0 =	sadd.s32 $0x8F2B, s0  }
0xc6: {  	[sflag:s0] =	ssyncadd.remote.s32 $0x1  }
0xc7: {  	_ =	sfence.sel $0xFFFF  }
0xc8: {  	[dreg:$0x0] =	wrdreg $0xFFFFFFFF;
	(pc) =	sbr.abs _section_cstart, $3  }
0xc9: {  	[dreg:$0x1] =	wrdreg $0xFFFFFFFF  }
0xca: {  	_ =	task.clear_ibuf [dreg:s9], $0x2FFFF;
	_ =	strace $0x9FFFFFFF  }
0xcb: {  	(tm) =	ssettm $0x7FFFFFFF  }
tec
execute0_lowered:
.L_overlay_start_1:
0x0: {  	(tag) =	ssettag $0x1  }
0x1: {  	s1 =	rddreg [dreg:$0x0]  }
0x2: {  	s7 =	rddreg [dreg:$0x1]  }
0x3: {  	s2 =	rddreg [dreg:$0x2]  }
0x4: {  	s8 =	rddreg [dreg:$0x3];
	s0 =	stileid.u32  }
0x5: {  	s3 =	srdreg.scid;
	s4 =	rddreg [dreg:$0x4];
	s5 =	simm.s32 $0x0  }
0x6: {  	s17 =	simm.s32 $0x16800;
	s18 =	simm.s32 $0x80;
	s19 =	simm.s32 $0x16900  }
0x7: {  	s20 =	simm.s32 $0x16880;
	s22 =	simm.s32 $0x1A900;
	s23 =	simm.s32 $0x1  }
0x8: {  	s24 =	simm.s32 $0x3;
	s25 =	simm.s32 $0x2;
	s9 =	smul.u32 $0x14000, s0  }
0x9: {  	s28 =	simm.s32 $0x0;
	s10 =	sand.u32 $0x1, s3;
	s13 =	smul.u32 $0x50000, s0  }
0xa: {  	[smem:$0x7FF] =	sst s5;
	s15 =	sshll.u32 s0, $0x6;
	s6 =	smul.u32 $0x140000, s10  }
0xb: {  	_ =	strace $0x8000004D;
	s12 =	smul.u32 $0x28000, s10;
	s26 =	ssub.s32 $0x2, s10  }
0xc: {  	s15 =	sor.u32 $0x1C05, s15;
	s10 =	sshrl.u32 s26, $0x1;
	s31 =	sshrl.u32 s13, $0x2  }
0xd: {  	s13 =	simm.s32 $0x14000;
	s11 =	sadd.s32 s9, s6;
	s6 =	smul.u32 $0x2800, s0  }
0xe: {  	s9 =	sshrl.u32 s9, $0x3;
	s14 =	ssub.s32 s26, s10;
	s16 =	sadd.s32 s31, s4  }
0xf: {  	s26 =	simm.s32 $0x4;
	s11 =	sshrl.u32 s11, $0x3;
	s9 =	sadd.s32 s9, s8  }
0x10: {  	s16 =	sshrl.u32 s16, $0x3;
	s11 =	sadd.s32 s11, s8;
	s12 =	sadd.s32 s6, s12  }
0x11: {  	s30 =	sshrl.u32 s6, $0x3;
	s9 =	sadd.s32 $0x1A00, s9;
	s29 =	sshrl.u32 s12, $0x3  }
0x12: {  	s8 =	sadd.s32 s2, s30;
	s11 =	sadd.s32 $0x29A00, s11;
	s12 =	smax.u32 s14, $0x1  }
0x13: {  	s14 =	simm.s32 $0x5;
	s7 =	sadd.s32 s7, s29;
	s10 =	sadd.s32 $0x10, s8  }
.LBB2_1:
0x14: {  	[tilespmem:s13], [sflag:$0x5] =	stream.linear.gather [hbm4b:s7+s5], $0x2800, $0x38;
	[tilespmem:$0x1E900] =	vst v63  }
0x15: {  	_ =	swait.ge [sflag:s14], $0x2800  }
0x16: {  	[sflag:s14] =	ssyncset.done $0x0  }
0x17: {  	[sflag:s14] =	ssyncadd.s32 $0xFFFFD800  }
0x18: {  	[spmem:s16], [sflag:s15] =	dma.local [hbm:s9], $0x2800  }
0x19: {  	_ =	swait.ge [sflag:s14], $0x2800  }
0x1a: {  	[sflag:s14] =	ssyncset.done $0x0  }
0x1b: {  	[sflag:s14] =	ssyncadd.s32 $0xFFFFD800  }
0x1c: {  	[bflag:$0x0] =	sbarrier.arrive $0xFFFF  }
0x1d: {  	[tilespmem:s17], [sflag:$0x3] =	stream.linear.gather [hbm4b:s8+s5], $0x80, $0x38;
	[tilespmem:$0x1E900] =	vst v63  }
0x1e: {  	_ = 	snop  }
0x1f: {  	[tilespmem:s19], [sflag:$0x1] =	stream.indirect.gather [hbm4b:s1+s18], $0x80, s13, s18, $0xb8;
	[tilespmem:$0x1E900] =	vst v63  }
0x20: {  	_ = 	snop  }
0x21: {  	[tilespmem:s20], [sflag:$0x4] =	stream.linear.gather [hbm4b:s10+s5], $0x80, $0x38;
	[tilespmem:$0x1E900] =	vst v63  }
0x22: {  	s0 =	simm.s32 $0x14080  }
0x23: {  	[tilespmem:s22], [sflag:$0x2] =	stream.indirect.gather [hbm4b:s1+s18], $0x80, s0, s18, $0xb8;
	[tilespmem:$0x1E900] =	vst v63  }
0x24: {  	_ =	swait.ge [sflag:s23], $0x4000  }
0x25: {  	[sflag:s23] =	ssyncset.done $0x0  }
0x26: {  	[sflag:s23] =	ssyncadd.s32 $0xFFFFC000  }
0x27: {  	s29 =	simm.s32 $0x100;
	_ =	swait.ge [sflag:s24], $0x80  }
0x28: {  	s30 =	sand.u32 $0x7C00, s29;
	[sflag:s24] =	ssyncset.done $0x0  }
0x29: {  	s29 =	sand.u32 $0x300, s29;
	s30 =	sadd.s32 s6, s30;
	[sflag:s24] =	ssyncadd.s32 $0xFFFFFF80  }
0x2a: {  	[spmem:s4] =	stream.indirect.scatter.add.f32 [tilespmem:s19], [sflag:$0x5], $0x80, s17, s18, $0xb8;
	[tilespmem:$0x1E900] =	vst v63  }
0x2b: {  	s29 =	sor.u32 s29, s30;
	_ =	swait.ge [sflag:s14], $0x4000  }
0x2c: {  	s29 =	sshrl.u32 s29, $0x3;
	[sflag:s14] =	ssyncset.done $0x0  }
0x2d: {  	s29 =	sadd.s32 s2, s29;
	[sflag:s14] =	ssyncadd.s32 $0xFFFFC000  }
0x2e: {  	[tilespmem:s17], [sflag:$0x3] =	stream.linear.gather [hbm4b:s29+s5], $0x80, $0x38;
	[tilespmem:$0x1E900] =	vst v63  }
0x2f: {  	s29 =	simm.s32 $0x14100  }
0x30: {  	[tilespmem:s19], [sflag:$0x1] =	stream.indirect.gather [hbm4b:s1+s18], $0x80, s29, s18, $0xb8;
	[tilespmem:$0x1E900] =	vst v63  }
0x31: {  	_ =	swait.ge [sflag:s25], $0x4000  }
0x32: {  	[sflag:s25] =	ssyncset.done $0x0  }
0x33: {  	[sflag:s25] =	ssyncadd.s32 $0xFFFFC000  }
0x34: {  	s29 =	simm.s32 $0x180;
	_ =	swait.ge [sflag:s26], $0x80  }
0x35: {  	s30 =	sand.u32 $0x7C00, s29;
	[sflag:s26] =	ssyncset.done $0x0  }
0x36: {  	s29 =	sand.u32 $0x380, s29;
	s30 =	sadd.s32 s6, s30;
	[sflag:s26] =	ssyncadd.s32 $0xFFFFFF80  }
0x37: {  	[spmem:s4] =	stream.indirect.scatter.add.f32 [tilespmem:s22], [sflag:$0x5], $0x80, s20, s18, $0xb8;
	[tilespmem:$0x1E900] =	vst v63  }
0x38: {  	s29 =	sor.u32 s29, s30;
	_ =	swait.ge [sflag:s14], $0x4000  }
0x39: {  	s29 =	sshrl.u32 s29, $0x3;
	[sflag:s14] =	ssyncset.done $0x0  }
0x3a: {  	s29 =	sadd.s32 s2, s29;
	[sflag:s14] =	ssyncadd.s32 $0xFFFFC000  }
0x3b: {  	[tilespmem:s20], [sflag:$0x4] =	stream.linear.gather [hbm4b:s29+s5], $0x80, $0x38;
	[tilespmem:$0x1E900] =	vst v63  }
0x3c: {  	s31 =	simm.s32 $0x14200;
	s30 =	simm.s32 $0x14180;
	s29 =	simm.s32 $0x280  }
.LBB2_2:
0x3d: {  	s3 =	sadd.s32 $0x80, s31  }
0x3e: {  	p0 =	sne.s32 s29, $0x2780;
	s0 =	smov.u32 s29;
	s29 =	sadd.s32 $0x100, s29  }
0x3f: {  	[tilespmem:s22], [sflag:$0x2] =	stream.indirect.gather [hbm4b:s1+s18], $0x80, s30, s18, $0xb8;
	[tilespmem:$0x1E900] =	vst v63  }
0x40: {  	s30 =	smov.u32 s3;
	_ =	swait.ge [sflag:s23], $0x4000  }
0x41: {  	[sflag:s23] =	ssyncset.done $0x0  }
0x42: {  	[sflag:s23] =	ssyncadd.s32 $0xFFFFC000  }
0x43: {  	_ =	swait.ge [sflag:s24], $0x80  }
0x44: {  	s3 =	sadd.s32 $0xFFFFFF80, s0;
	[sflag:s24] =	ssyncset.done $0x0  }
0x45: {  	s21 =	sand.u32 $0x7C00, s3;
	s3 =	sand.u32 $0x300, s3;
	[sflag:s24] =	ssyncadd.s32 $0xFFFFFF80  }
0x46: {  	[spmem:s4] =	stream.indirect.scatter.add.f32 [tilespmem:s19], [sflag:$0x5], $0x80, s17, s18, $0xb8;
	[tilespmem:$0x1E900] =	vst v63  }
0x47: {  	s21 =	sadd.s32 s6, s21;
	_ =	swait.ge [sflag:s14], $0x4000  }
0x48: {  	s3 =	sor.u32 s3, s21;
	[sflag:s14] =	ssyncset.done $0x0  }
0x49: {  	s3 =	sshrl.u32 s3, $0x3;
	[sflag:s14] =	ssyncadd.s32 $0xFFFFC000  }
0x4a: {  	s3 =	sadd.s32 s2, s3  }
0x4b: {  	[tilespmem:s17], [sflag:$0x3] =	stream.linear.gather [hbm4b:s3+s5], $0x80, $0x38;
	[tilespmem:$0x1E900] =	vst v63  }
0x4c: {  	_ = 	snop  }
0x4d: {  	[tilespmem:s19], [sflag:$0x1] =	stream.indirect.gather [hbm4b:s1+s18], $0x80, s31, s18, $0xb8;
	[tilespmem:$0x1E900] =	vst v63  }
0x4e: {  	_ =	swait.ge [sflag:s25], $0x4000  }
0x4f: {  	[sflag:s25] =	ssyncset.done $0x0  }
0x50: {  	[sflag:s25] =	ssyncadd.s32 $0xFFFFC000  }
0x51: {  	_ =	swait.ge [sflag:s26], $0x80  }
0x52: {  	s3 =	sand.u32 $0x7C00, s0;
	[sflag:s26] =	ssyncset.done $0x0  }
0x53: {  	s0 =	sand.u32 $0x380, s0;
	s3 =	sadd.s32 s6, s3;
	[sflag:s26] =	ssyncadd.s32 $0xFFFFFF80  }
0x54: {  	[spmem:s4] =	stream.indirect.scatter.add.f32 [tilespmem:s22], [sflag:$0x5], $0x80, s20, s18, $0xb8;
	[tilespmem:$0x1E900] =	vst v63  }
.Ltmp0:
0x55: {  	_ = 	snop;
	(pc) =	sbr.rel @p0 .LBB2_2-.Ltmp0, $4  }
0x56: {  	s0 =	sor.u32 s0, s3;
	_ =	swait.ge [sflag:s14], $0x4000  }
0x57: {  	s0 =	sshrl.u32 s0, $0x3;
	[sflag:s14] =	ssyncset.done $0x0  }
0x58: {  	s31 =	sadd.s32 $0x100, s31;
	s0 =	sadd.s32 s2, s0;
	[sflag:s14] =	ssyncadd.s32 $0xFFFFC000  }
0x59: {  	[tilespmem:s20], [sflag:$0x4] =	stream.linear.gather [hbm4b:s0+s5], $0x80, $0x38;
	[tilespmem:$0x1E900] =	vst v63  }
0x5a: {  	[tilespmem:s22], [sflag:$0x2] =	stream.indirect.gather [hbm4b:s1+s18], $0x80, s30, s18, $0xb8;
	[tilespmem:$0x1E900] =	vst v63  }
0x5b: {  	_ =	swait.ge [sflag:s23], $0x4000  }
0x5c: {  	[sflag:s23] =	ssyncset.done $0x0  }
0x5d: {  	[sflag:s23] =	ssyncadd.s32 $0xFFFFC000  }
0x5e: {  	_ =	swait.ge [sflag:s24], $0x80  }
0x5f: {  	[sflag:s24] =	ssyncset.done $0x0  }
0x60: {  	[sflag:s24] =	ssyncadd.s32 $0xFFFFFF80  }
0x61: {  	[spmem:s4] =	stream.indirect.scatter.add.f32 [tilespmem:s19], [sflag:$0x5], $0x80, s17, s18, $0xb8;
	[tilespmem:$0x1E900] =	vst v63  }
0x62: {  	_ =	swait.ge [sflag:s14], $0x4000  }
0x63: {  	[sflag:s14] =	ssyncset.done $0x0  }
0x64: {  	[sflag:s14] =	ssyncadd.s32 $0xFFFFC000  }
0x65: {  	_ =	swait.ge [sflag:s25], $0x4000  }
0x66: {  	[sflag:s25] =	ssyncset.done $0x0  }
0x67: {  	[sflag:s25] =	ssyncadd.s32 $0xFFFFC000  }
0x68: {  	_ =	swait.ge [sflag:s26], $0x80  }
0x69: {  	[sflag:s26] =	ssyncset.done $0x0  }
0x6a: {  	[sflag:s26] =	ssyncadd.s32 $0xFFFFFF80  }
0x6b: {  	[spmem:s4] =	stream.indirect.scatter.add.f32 [tilespmem:s22], [sflag:$0x5], $0x80, s20, s18, $0xb8;
	[tilespmem:$0x1E900] =	vst v63  }
0x6c: {  	_ =	swait.ge [sflag:s14], $0x4000  }
0x6d: {  	s28 =	sadd.s32 $0x1, s28;
	[sflag:s14] =	ssyncset.done $0x0  }
0x6e: {  	p0 =	sne.s32 s28, s12;
	[sflag:s14] =	ssyncadd.s32 $0xFFFFC000  }
.Ltmp1:
0x6f: {  	[bflag:$0x0] =	sbarrier.arrive $0xFFFF;
	(pc) =	sbr.rel @p0 .LBB2_1-.Ltmp1, $4  }
0x70: {  	[hbm:s11], [sflag:s15] =	dma.local [spmem:s16], $0x2800  }
0x71: {  	_ =	swait.ge [sflag:s14], $0x2800  }
0x72: {  	[sflag:s14] =	ssyncset.done $0x0  }
0x73: {  	[sflag:s14] =	ssyncadd.s32 $0xFFFFD800  }
0x74: {  	_ =	sfence.sel $0x180000  }
0x75: {  	[bflag:$0x0] =	sbarrier.arrive $0xFFFF  }
0x76: {  	_ =	strace $0x9000004D  }
0x77: {  	s0 =	stileid.u32;
	[bflag:$0x2] =	sbarrier.arrive $0xFFFF  }
0x78: {  	p0 =	sne.s32 s0, $0x0;
	s0 =	rddreg [dreg:$0x5]  }
0x79: {  	s0 =	sadd.s32 @!p0 $0x100000, s0  }
0x7a: {  	[sflag:s0] =	ssyncadd.tile.s32 @!p0 $0x1;
	_ =	shalt  }
.Lfunc_end2:
_tile_overlayer_lowered:
.L_overlay_start_2:
0x7b: {  	(tag) =	ssettag $0x2  }
0x7c: {  	s0 =	rddreg [dreg:$0x0];
	s2 =	stileid.u32  }
0x7d: {  	s1 =	rddreg [dreg:$0x1];
	p0 =	sne.s32 s2, $0x0  }
0x7e: {  	s3 =	rddreg [dreg:$0x2];
	[bflag:$0x3] =	sbarrier.arrive $0xFFFF;
	s2 =	simm.s32 @!p0 $0x1C05  }
0x7f: {  	[timem:s3], [sflag:s2] =	dma.local @!p0 [hbm:s0], s1  }
0x80: {  	s0 =	simm.s32 @!p0 $0x5  }
0x81: {  	_ =	swait.ge @!p0 [sflag:s0], s1  }
0x82: {  	s1 =	ssub.s32 @!p0 $0x0, s1;
	[sflag:s0] =	ssyncset.done @!p0 $0x0  }
0x83: {  	[sflag:s0] =	ssyncadd.s32 @!p0 s1  }
0x84: {  	[bflag:$0x3] =	sbarrier.arrive $0xFFFF  }
0x85: {  	_ =	shalt  }

// kernel: kernel.8.cloned.1.call-start
scs
__scs_entry_jumppad:
0x0: {  	(pc) =	sbr.rel $0x88, $3  }
0x1: {  	(tag) =	ssettag $0x0;
	lr =	simm.s32 $0x1  }
0x2: {  	[smem:$0x3F9B] =	sst lr;
	_ =	strace $0xD0000000  }
0x3: {  	_ = 	snop  }
0x4: {  	_ = 	snop  }
0x5: {  	_ = 	snop  }
0x6: {  	_ = 	snop  }
0x7: {  	_ = 	snop  }
__scs_overlays_trampoline_lowered:
0x8: {  	[smem:$0x3FAA] =	sst s0  }
0x9: {  	[smem:$0x3FAB] =	sst s1  }
0xa: {  	[smem:$0x3FAC] =	sst s2  }
0xb: {  	[smem:$0x3FAD] =	sst s3  }
0xc: {  	[smem:$0x3FAE] =	sst s4  }
0xd: {  	[smem:$0x3FAF] =	sst s5  }
0xe: {  	[smem:$0x3FB0] =	sst s6  }
0xf: {  	[smem:$0x3FB1] =	sst s7  }
0x10: {  	[smem:$0x3FB2] =	sst s8  }
0x11: {  	[smem:$0x3FB3] =	sst s9;
	s0 =	simm.s32 @!p0 $0x0  }
0x12: {  	s1 =	sld [smem:$0x3F99];
	s0 =	simm.s32 @p0 $0x1  }
0x13: {  	[smem:$0x3FB4] =	sst s0;
	s0 =	simm.s32 @!p1 $0x0  }
0x14: {  	s2 =	sld [smem:$0x3F98];
	s0 =	simm.s32 @p1 $0x1  }
0x15: {  	[smem:$0x3FB5] =	sst s0;
	s0 =	simm.s32 @!p2 $0x0  }
0x16: {  	s3 =	sld [smem:$0x3FDB];
	s0 =	simm.s32 @p2 $0x1  }
0x17: {  	s4 =	simm.s32 $0x1BF5;
	[smem:$0x3FB7] =	sst s0  }
0x18: {  	s0 =	sld [smem:$0x3F9A];
	_ =	swait.ge [sflag:s4], $0x0  }
0x19: {  	s7 =	sld [smem:$0x3F9B]  }
0x1a: {  	s8 =	sadd.s32 $0xFFFFE003, lr  }
0x1b: {  	s9 =	sadd.s32 $0xFFFFFEF7, lr;
	s5 =	simm.s32 $0xFFFFFFFF;
	p2 =	slt.u32 s8, $0xFFFFF086  }
0x1c: {  	p1 =	slt.u32 s9, $0xF7A;
	s5 =	simm.s32 @!p2 $0x0  }
0x1d: {  	s5 =	simm.s32 @p1 $0x1;
	p0 =	seq.s32 s7, s2  }
0x1e: {  	s7 =	smul.u32 @!p0 $0xF7A, s2;
	p2 =	seq.s32 @!p0 s5, $0x0  }
0x1f: {  	s9 =	smul.u32 $0xF7A, s1;
	s8 =	simm.s32 @!p0 $0x1BF5;
	p2 =	por !p2, p0  }
0x20: {  	[sflag:s8] =	ssyncset.s32 @!p0 $0xFFFFF086;
	s6 =	sadd.s32 @!p0 s3, s7;
	s7 =	simm.s32 @!p0 $0x108  }
0x21: {  	s3 =	sadd.s32 s3, s9;
	s6 =	sadd.s32 @!p0 $0x88, s6;
	s7 =	simm.s32 @p2 $0x1082  }
0x22: {  	[simem:s7], [sflag:s8] =	dma.local @!p0 [hbm:s6], $0xF7A  }
0x23: {  	s9 =	sor.u32 $0xD0000000, s2;
	s6 =	simm.s32 $0x108;
	_ =	swait.ge @!p0 [sflag:s8], $0x0  }
0x24: {  	s3 =	sadd.s32 $0x88, s3;
	s6 =	simm.s32 @!p1 $0x1082;
	[sflag:s4] =	ssyncset.s32 $0xFFFFF086  }
0x25: {  	[simem:s6], [sflag:s4] =	dma.local [hbm:s3], $0xF7A  }
0x26: {  	[smem:$0x3F9B] =	sst s1;
	(tag) =	ssettag s2;
	_ =	strace s9  }
0x27: {  	s1 =	sld [smem:$0x3FAB]  }
0x28: {  	s2 =	sld [smem:$0x3FAC]  }
0x29: {  	s4 =	sld [smem:$0x3FAE]  }
0x2a: {  	p0 =	seq.s32 s5, $0x0;
	s5 =	sld [smem:$0x3FAF]  }
0x2b: {  	s6 =	sld [smem:$0x3FB0]  }
0x2c: {  	s7 =	sld [smem:$0x3FB1]  }
0x2d: {  	s3 =	simm.s32 $0x108;
	s8 =	sld [smem:$0x3FB2]  }
0x2e: {  	s3 =	simm.s32 @!p0 $0x1082;
	s9 =	sld [smem:$0x3FB3]  }
0x2f: {  	lr =	sadd.s32 s0, s3;
	s0 =	sld [smem:$0x3FAA]  }
0x30: {  	s3 =	sld [smem:$0x3FAD]  }
0x31: {  	[smem:$0x3FB6] =	sst s10  }
0x32: {  	s10 =	sld [smem:$0x3FB4];
	_ =	sdelay $0x3  }
0x33: {  	p0 =	seq.s32 s10, $0x1;
	s10 =	sld [smem:$0x3FB6];
	_ =	sdelay $0x3  }
0x34: {  	[smem:$0x3FB6] =	sst s10  }
0x35: {  	s10 =	sld [smem:$0x3FB5];
	_ =	sdelay $0x3  }
0x36: {  	p1 =	seq.s32 s10, $0x1;
	s10 =	sld [smem:$0x3FB6];
	_ =	sdelay $0x3  }
0x37: {  	[smem:$0x3FB6] =	sst s10  }
0x38: {  	s10 =	sld [smem:$0x3FB7]  }
0x39: {  	_ = 	snop;
	(pc) =	sbr.ind lr, $3  }
0x3a: {  	_ = 	snop  }
0x3b: {  	_ = 	snop  }
0x3c: {  	p2 =	seq.s32 s10, $0x1;
	s10 =	sld [smem:$0x3FB6]  }
0x3d: {  	_ =	shalt  }
0x3e: {  	_ =	shalt  }
0x3f: {  	_ =	shalt  }
0x40: {  	_ =	shalt  }
0x41: {  	_ =	shalt  }
0x42: {  	_ =	shalt  }
0x43: {  	_ =	shalt  }
0x44: {  	_ =	shalt  }
0x45: {  	_ =	shalt  }
0x46: {  	_ =	shalt  }
0x47: {  	_ =	shalt  }
0x48: {  	_ =	shalt  }
0x49: {  	_ =	shalt  }
0x4a: {  	_ =	shalt  }
0x4b: {  	_ =	shalt  }
0x4c: {  	_ =	shalt  }
0x4d: {  	_ =	shalt  }
0x4e: {  	_ =	shalt  }
0x4f: {  	_ =	shalt  }
0x50: {  	_ =	shalt  }
0x51: {  	_ =	shalt  }
0x52: {  	_ =	shalt  }
0x53: {  	_ =	shalt  }
0x54: {  	_ =	shalt  }
0x55: {  	_ =	shalt  }
0x56: {  	_ =	shalt  }
0x57: {  	_ =	shalt  }
0x58: {  	_ =	shalt  }
0x59: {  	_ =	shalt  }
0x5a: {  	_ =	shalt  }
0x5b: {  	_ =	shalt  }
0x5c: {  	_ =	shalt  }
0x5d: {  	_ =	shalt  }
0x5e: {  	_ =	shalt  }
0x5f: {  	_ =	shalt  }
0x60: {  	_ =	shalt  }
0x61: {  	_ =	shalt  }
0x62: {  	_ =	shalt  }
0x63: {  	_ =	shalt  }
0x64: {  	_ =	shalt  }
0x65: {  	_ =	shalt  }
0x66: {  	_ =	shalt  }
0x67: {  	_ =	shalt  }
0x68: {  	_ =	shalt  }
0x69: {  	_ =	shalt  }
0x6a: {  	_ =	shalt  }
0x6b: {  	_ =	shalt  }
0x6c: {  	_ =	shalt  }
0x6d: {  	_ =	shalt  }
0x6e: {  	_ =	shalt  }
0x6f: {  	_ =	shalt  }
0x70: {  	_ =	shalt  }
0x71: {  	_ =	shalt  }
0x72: {  	_ =	shalt  }
0x73: {  	_ =	shalt  }
0x74: {  	_ =	shalt  }
0x75: {  	_ =	shalt  }
0x76: {  	_ =	shalt  }
0x77: {  	_ =	shalt  }
0x78: {  	_ =	shalt  }
0x79: {  	_ =	shalt  }
0x7a: {  	_ =	shalt  }
0x7b: {  	_ =	shalt  }
0x7c: {  	_ =	shalt  }
0x7d: {  	_ =	shalt  }
0x7e: {  	_ =	shalt  }
0x7f: {  	_ =	shalt  }
0x80: {  	_ =	shalt  }
0x81: {  	_ =	shalt  }
0x82: {  	_ =	shalt  }
0x83: {  	_ =	shalt  }
0x84: {  	_ =	shalt  }
0x85: {  	_ =	shalt  }
0x86: {  	_ =	shalt  }
0x87: {  	_ =	shalt  }
.Lfunc_end0:
.L_simem_size_0:
called_computation_lowered:
.L_overlay_start_0:
0x88: {  	s2 =	sld [smem:$0x3FD9]  }
0x89: {  	s3 =	sld [smem:$0x3FFE];
	_ =	sdelay $0x1  }
0x8a: {  	s1 =	srdreg.scid  }
0x8b: {  	s0 =	sand.u32 $0x1, s1  }
0x8c: {  	s14 =	sshll.u32 s0, $0xA;
	s2 =	sadd.s32 s3, s2  }
0x8d: {  	s2 =	sadd.s32 s2, s14  }
0x8e: {  	[smem:$0x3FC2] =	sst s2  }
0x8f: {  	_ = 	snop  }
0x90: {  	s2 =	sld [smem:$0x3FD0];
	_ =	sdelay $0x2  }
0x91: {  	s15 =	simm.s32 $0xA;
	s4 =	simm.s32 $0x10  }
0x92: {  	[smem:s4], [sflag:s15] =	dma.local [hbm:s2], $0x1  }
0x93: {  	_ =	swait.eq [sflag:s15], $0x1  }
0x94: {  	s16 =	sld [smem:$0x12];
	[sflag:s15] =	ssyncset.done $0x0  }
0x95: {  	s17 =	sld [smem:$0x13];
	[sflag:s15] =	ssyncadd.s32 $0xFFFFFFFF  }
0x96: {  	s18 =	sld [smem:$0x14];
	(tm) =	ssettm $0x1  }
0x97: {  	s5 =	sld [smem:$0x3FFB];
	_ =	sdelay $0x3  }
0x98: {  	_ =	strace s5  }
0x99: {  	s5 =	sld [smem:$0x3FFC];
	_ =	sdelay $0x3  }
0x9a: {  	_ =	strace s5  }
0x9b: {  	s5 =	sld [smem:$0x3FFD];
	_ =	sdelay $0x3  }
0x9c: {  	_ =	strace s5  }
0x9d: {  	_ =	strace $0x8FFFFFFF  }
0x9e: {  	s19 =	sld [smem:$0x3FDB];
	_ =	sdelay $0x1  }
0x9f: {  	s6 =	simm.s32 $_scs_section_size  }
0xa0: {  	s7 =	simm.s32 $_size__tile_overlayer_lowered;
	s8 =	simm.s32 $_tile_overlayer_lowered  }
0xa1: {  	s22 =	simm.s32 $0x1BFF;
	s21 =	sshll.u32 s8, $0x1;
	s5 =	sadd.s32 s6, s19  }
0xa2: {  	s9 =	simm.s32 $0x0;
	s20 =	sshll.u32 s7, $0x1;
	s7 =	sadd.s32 s21, s5  }
0xa3: {  	[timem:s9], [sflag:s22] =	dma.local [hbm:s7], s20  }
0xa4: {  	_ =	swait.ge [sflag:s22], s20  }
0xa5: {  	s6 =	ssub.s32 $0x0, s20;
	[sflag:s22] =	ssyncset.done $0x0  }
0xa6: {  	[sflag:s22] =	ssyncadd.s32 s6;
	_ =	sdelay $0x1  }
0xa7: {  	s23 =	simm.s32 $0x1B8B  }
0xa8: {  	_ =	swait.ge [sflag:s23], $0x1  }
0xa9: {  	[sflag:s23] =	ssyncset.done $0x0  }
0xaa: {  	s25 =	simm.s32 $0x1B8E;
	s24 =	sld [smem:$0x3FFE];
	[sflag:s23] =	ssyncadd.s32 $0xFFFFFFFF  }
0xab: {  	s26 =	simm.s32 $execute0_lowered;
	[smem:$0x3FD2] =	sst s25  }
0xac: {  	s7 =	sshll.u32 s26, $0x1;
	_ =	strace $0x80000046;
	[dreg:$0x1] =	wrdreg $0xFFFFFFFF  }
0xad: {  	s28 =	simm.s32 $_size_execute0_lowered;
	s5 =	sadd.s32 s5, s7;
	[dreg:$0x0] =	wrdreg $0x0  }
0xae: {  	s7 =	sshll.u32 s28, $0x1;
	[dreg:$0x2] =	wrdreg s5  }
0xaf: {  	[dreg:$0x3] =	wrdreg s7  }
0xb0: {  	[dreg:$0x4] =	wrdreg $0xC0  }
0xb1: {  	_ =	task [dreg:s9], $0x5FFFF  }
0xb2: {  	[dreg:$0x1] =	wrdreg $0xFFFFFFFF  }
0xb3: {  	[dreg:$0x0] =	wrdreg $0x60  }
0xb4: {  	[dreg:$0x2] =	wrdreg s18  }
0xb5: {  	[dreg:$0x3] =	wrdreg s16  }
0xb6: {  	[dreg:$0x4] =	wrdreg s17  }
0xb7: {  	[dreg:$0x5] =	wrdreg s24  }
0xb8: {  	[dreg:$0x6] =	wrdreg $0x0  }
0xb9: {  	[dreg:$0x7] =	wrdreg $0x9  }
0xba: {  	_ =	task.clear_ibuf [dreg:s9], $0x8FFFF;
	_ =	strace $0x90000046  }
0xbb: {  	s29 =	simm.s32 $0x9;
	_ =	strace $0x80000048  }
0xbc: {  	_ =	swait.ge [sflag:s29], $0x1  }
0xbd: {  	[sflag:s29] =	ssyncadd.s32 $0xFFFFFFFF  }
0xbe: {  	_ =	strace $0x90000048  }
0xbf: {  	_ =	sfence  }
0xc0: {  	s30 =	sld [smem:$0x0];
	_ =	sdelay $0x2  }
0xc1: {  	s31 =	sshll.u32 s1, $0xD;
	s1 =	sshrl.u32 s1, $0x2  }
0xc2: {  	s3 =	sand.u32 $0x4000, s31;
	s1 =	sadd.s32 s1, s30  }
0xc3: {  	s0 =	sor.u32 s3, s0;
	s1 =	sshll.u32 s1, $0x11  }
0xc4: {  	s0 =	sor.u32 s1, s0  }
0xc5: {  	s0 =	sadd.s32 $0x8F2B, s0  }
0xc6: {  	[sflag:s0] =	ssyncadd.remote.s32 $0x1  }
0xc7: {  	_ =	sfence.sel $0xFFFF  }
0xc8: {  	[dreg:$0x0] =	wrdreg $0xFFFFFFFF;
	(pc) =	sbr.abs _section_cstart, $3  }
0xc9: {  	[dreg:$0x1] =	wrdreg $0xFFFFFFFF  }
0xca: {  	_ =	task.clear_ibuf [dreg:s9], $0x2FFFF;
	_ =	strace $0x9FFFFFFF  }
0xcb: {  	(tm) =	ssettm $0x7FFFFFFF  }
tec
execute0_lowered:
.L_overlay_start_1:
0x0: {  	(tag) =	ssettag $0x1  }
0x1: {  	s1 =	rddreg [dreg:$0x0]  }
0x2: {  	s7 =	rddreg [dreg:$0x1]  }
0x3: {  	s2 =	rddreg [dreg:$0x2]  }
0x4: {  	s3 =	srdreg.scid;
	s8 =	rddreg [dreg:$0x3]  }
0x5: {  	s0 =	stileid.u32;
	s4 =	rddreg [dreg:$0x4];
	s5 =	simm.s32 $0x0  }
0x6: {  	s18 =	simm.s32 $0x5500;
	s16 =	simm.s32 $0x5400;
	s17 =	simm.s32 $0x5480  }
0x7: {  	s19 =	simm.s32 $0x80;
	s20 =	simm.s32 $0x5580;
	s21 =	simm.s32 $0x2  }
0x8: {  	s22 =	simm.s32 $0x4;
	s23 =	simm.s32 $0x0;
	s9 =	smul.u32 $0x14000, s0  }
0x9: {  	s6 =	sand.u32 $0x1, s3;
	[smem:$0x7FF] =	sst s5;
	s13 =	smul.u32 $0x50000, s0  }
0xa: {  	s14 =	sshll.u32 s0, $0x6;
	s10 =	smul.u32 $0x140000, s6;
	s11 =	sshll.u32 s6, $0x4  }
0xb: {  	s12 =	ssub.s32 $0x2, s6;
	_ =	strace $0x80000047;
	s14 =	sor.u32 $0x1C05, s14  }
0xc: {  	[dreg:$0x6] =	wrdreg s18;
	s18 =	simm.s32 $0x1;
	s28 =	sor.u32 s0, s11  }
0xd: {  	s29 =	sshrl.u32 s12, $0x1;
	s30 =	sshrl.u32 s13, $0x2;
	s13 =	simm.s32 $0x5  }
0xe: {  	s10 =	sadd.s32 s9, s10;
	s6 =	smul.u32 $0x1400, s28;
	s11 =	ssub.s32 s12, s29  }
0xf: {  	s9 =	sshrl.u32 s9, $0x3;
	s15 =	sadd.s32 s30, s4;
	s12 =	simm.s32 $0x1400  }
0x10: {  	s10 =	sshrl.u32 s10, $0x3;
	s7 =	sadd.s32 s7, s9;
	s31 =	sshrl.u32 s6, $0x3  }
0x11: {  	s11 =	smax.u32 s11, $0x1;
	s10 =	sadd.s32 s10, s8;
	s8 =	sadd.s32 s1, s31  }
0x12: {  	s15 =	sshrl.u32 s15, $0x3;
	s10 =	sadd.s32 $0x1A00, s10;
	s9 =	sadd.s32 $0x10, s8  }
.LBB2_1:
0x13: {  	[tilespmem:s12], [sflag:$0x5] =	stream.linear.gather [hbm4b:s2+s5], $0x4000, $0x38;
	[tilespmem:$0x5600] =	vst v63  }
0x14: {  	_ =	swait.ge [sflag:s13], $0x4000  }
0x15: {  	[sflag:s13] =	ssyncset.done $0x0  }
0x16: {  	[sflag:s13] =	ssyncadd.s32 $0xFFFFC000  }
0x17: {  	[spmem:s15], [sflag:s14] =	dma.local [hbm:s7], $0x2800  }
0x18: {  	s24 =	sand.u32 $0x1C00, s5;
	_ =	swait.ge [sflag:s13], $0x2800  }
0x19: {  	s25 =	sand.u32 $0x200, s5;
	s24 =	sadd.s32 s6, s24;
	[sflag:s13] =	ssyncset.done $0x0  }
0x1a: {  	s24 =	sor.u32 s25, s24;
	[sflag:s13] =	ssyncadd.s32 $0xFFFFD800  }
0x1b: {  	[tilespmem:s16], [sflag:$0x1] =	stream.linear.gather [hbm4b:s8+s5], $0x80, $0x38;
	[tilespmem:$0x5600] =	vst v63  }
0x1c: {  	s24 =	sshrl.u32 s24, $0x3  }
0x1d: {  	[tilespmem:s17], [sflag:$0x2] =	stream.linear.gather [hbm4b:s9+s5], $0x80, $0x38;
	[tilespmem:$0x5600] =	vst v63  }
0x1e: {  	s24 =	sadd.s32 s24, s1;
	[bflag:$0x0] =	sbarrier.arrive $0xFFFF  }
0x1f: {  	s26 =	sadd.s32 $0x20, s24;
	s29 =	rddreg [dreg:$0x6]  }
0x20: {  	[tilespmem:s29], [sflag:$0x3] =	stream.linear.gather [hbm4b:s26+s5], $0x80, $0x38;
	[tilespmem:$0x5600] =	vst v63  }
0x21: {  	_ =	swait.ge [sflag:s18], $0x80  }
0x22: {  	[sflag:s18] =	ssyncset.done $0x0  }
0x23: {  	[sflag:s18] =	ssyncadd.s32 $0xFFFFFF80  }
0x24: {  	[spmem:s4] =	stream.indirect.scatter.add.f32 [tilespmem:s12], [sflag:$0x5], $0x8, s16, s19, $0xb8;
	[tilespmem:$0x5600] =	vst v63  }
0x25: {  	_ =	swait.ge [sflag:s13], $0x400  }
0x26: {  	[sflag:s13] =	ssyncset.done $0x0  }
0x27: {  	s24 =	sadd.s32 $0x30, s24;
	[sflag:s13] =	ssyncadd.s32 $0xFFFFFC00  }
0x28: {  	[tilespmem:s20], [sflag:$0x4] =	stream.linear.gather [hbm4b:s24+s5], $0x80, $0x38;
	[tilespmem:$0x5600] =	vst v63  }
0x29: {  	_ =	swait.ge [sflag:s21], $0x80  }
0x2a: {  	[sflag:s21] =	ssyncset.done $0x0  }
0x2b: {  	[sflag:s21] =	ssyncadd.s32 $0xFFFFFF80  }
0x2c: {  	[spmem:s4] =	stream.indirect.scatter.add.f32 [tilespmem:s12], [sflag:$0x5], $0x8, s17, s19, $0xb8;
	[tilespmem:$0x5600] =	vst v63  }
0x2d: {  	_ =	swait.ge [sflag:s13], $0x400  }
0x2e: {  	p0 =	por $0x0, $0x0;
	[sflag:s13] =	ssyncset.done $0x0  }
0x2f: {  	s24 =	simm.s32 @p0 $0x3;
	[sflag:s13] =	ssyncadd.s32 $0xFFFFFC00  }
0x30: {  	_ =	swait.ge @p0 [sflag:s24], $0x80  }
0x31: {  	s28 =	simm.s32 @p0 $0x80;
	s25 =	simm.s32 @p0 $0x1400;
	[sflag:s24] =	ssyncset.done @p0 $0x0  }
0x32: {  	s26 =	simm.s32 @!p0 $0x200;
	[sflag:s24] =	ssyncadd.s32 @p0 $0xFFFFFF80;
	s24 =	simm.s32 @p0 $0x5500  }
0x33: {  	[spmem:s4] =	stream.indirect.scatter.add.f32 @p0 [tilespmem:s25], [sflag:$0x5], $0x8, s24, s28, $0xb8;
	[tilespmem:$0x5600] =	vst v63  }
0x34: {  	s24 =	sand.u32 @!p0 $0x3C00, s26  }
0x35: {  	s25 =	sand.u32 @!p0 $0x200, s26;
	s24 =	sadd.s32 @!p0 s6, s24  }
0x36: {  	s24 =	sor.u32 @!p0 s25, s24;
	s25 =	simm.s32 @p0 $0x5  }
0x37: {  	s26 =	simm.s32 @!p0 $0x0;
	_ =	swait.ge @p0 [sflag:s25], $0x400  }
0x38: {  	s28 =	simm.s32 @!p0 $0x5400;
	s24 =	sshrl.u32 @!p0 s24, $0x3;
	[sflag:s25] =	ssyncset.done @p0 $0x0  }
0x39: {  	s24 =	sadd.s32 @!p0 s1, s24;
	[sflag:s25] =	ssyncadd.s32 @p0 $0xFFFFFC00;
	s25 =	simm.s32 @!p0 $0x3  }
0x3a: {  	[tilespmem:s28], [sflag:$0x1] =	stream.linear.gather @!p0 [hbm4b:s24+s26], $0x80, $0x38;
	[tilespmem:$0x5600] =	vst v63  }
0x3b: {  	_ =	swait.ge @!p0 [sflag:s25], $0x80  }
0x3c: {  	s24 =	simm.s32 @!p0 $0x1400;
	[sflag:s25] =	ssyncset.done @!p0 $0x0  }
0x3d: {  	s28 =	simm.s32 @!p0 $0x80;
	[sflag:s25] =	ssyncadd.s32 @!p0 $0xFFFFFF80;
	s25 =	simm.s32 @!p0 $0x5500  }
0x3e: {  	[spmem:s4] =	stream.indirect.scatter.add.f32 @!p0 [tilespmem:s24], [sflag:$0x5], $0x8, s25, s28, $0xb8;
	[tilespmem:$0x5600] =	vst v63  }
0x3f: {  	s24 =	simm.s32 @!p0 $0x280  }
0x40: {  	s25 =	sand.u32 @!p0 $0x3C00, s24  }
0x41: {  	s28 =	simm.s32 @!p0 $0x5;
	s24 =	sand.u32 @!p0 $0x280, s24;
	s25 =	sadd.s32 @!p0 s6, s25  }
0x42: {  	_ =	swait.ge @!p0 [sflag:s28], $0x400;
	s24 =	sor.u32 @!p0 s24, s25  }
0x43: {  	[sflag:s28] =	ssyncset.done @!p0 $0x0;
	s24 =	sshrl.u32 @!p0 s24, $0x3  }
0x44: {  	[sflag:s28] =	ssyncadd.s32 @!p0 $0xFFFFFC00;
	s25 =	simm.s32 @!p0 $0x5480;
	s24 =	sadd.s32 @!p0 s1, s24  }
0x45: {  	[tilespmem:s25], [sflag:$0x2] =	stream.linear.gather @!p0 [hbm4b:s24+s26], $0x80, $0x38;
	[tilespmem:$0x5600] =	vst v63  }
0x46: {  	s25 =	simm.s32 $0x200  }
0x47: {  	s30 =	sand.u32 $0x1C00, s25  }
0x48: {  	s31 =	sand.u32 $0x200, s25;
	s24 =	sadd.s32 s6, s30  }
0x49: {  	s26 =	sor.u32 s31, s24;
	s24 =	simm.s32 $0x400  }
.LBB2_2:
0x4a: {  	_ =	swait.ge [sflag:s22], $0x80  }
0x4b: {  	[sflag:s22] =	ssyncset.done $0x0  }
0x4c: {  	[sflag:s22] =	ssyncadd.s32 $0xFFFFFF80  }
0x4d: {  	[spmem:s4] =	stream.indirect.scatter.add.f32 [tilespmem:s12], [sflag:$0x5], $0x8, s20, s19, $0xb8;
	[tilespmem:$0x5600] =	vst v63  }
0x4e: {  	s28 =	sshrl.u32 s26, $0x3;
	_ =	swait.ge [sflag:s13], $0x400  }
0x4f: {  	s28 =	sadd.s32 s28, s1;
	[sflag:s13] =	ssyncset.done $0x0  }
0x50: {  	s30 =	sadd.s32 $0x20, s28;
	s29 =	rddreg [dreg:$0x6];
	[sflag:s13] =	ssyncadd.s32 $0xFFFFFC00  }
0x51: {  	[tilespmem:s29], [sflag:$0x3] =	stream.linear.gather [hbm4b:s30+s5], $0x80, $0x38;
	[tilespmem:$0x5600] =	vst v63  }
0x52: {  	_ =	swait.ge [sflag:s18], $0x80  }
0x53: {  	[sflag:s18] =	ssyncset.done $0x0  }
0x54: {  	[sflag:s18] =	ssyncadd.s32 $0xFFFFFF80  }
0x55: {  	[spmem:s4] =	stream.indirect.scatter.add.f32 [tilespmem:s12], [sflag:$0x5], $0x8, s16, s19, $0xb8;
	[tilespmem:$0x5600] =	vst v63  }
0x56: {  	_ =	swait.ge [sflag:s13], $0x400  }
0x57: {  	[sflag:s13] =	ssyncset.done $0x0  }
0x58: {  	s28 =	sadd.s32 $0x30, s28;
	[sflag:s13] =	ssyncadd.s32 $0xFFFFFC00  }
0x59: {  	[tilespmem:s20], [sflag:$0x4] =	stream.linear.gather [hbm4b:s28+s5], $0x80, $0x38;
	[tilespmem:$0x5600] =	vst v63  }
0x5a: {  	p1 =	seq.s32 s25, $0x1200;
	_ =	swait.ge [sflag:s21], $0x80  }
0x5b: {  	s26 =	smov.u32 s24;
	s31 =	simm.s32 @p1 $0x80;
	[sflag:s21] =	ssyncset.done $0x0  }
0x5c: {  	s29 =	sadd.s32 @!p1 $0x200, s25;
	s25 =	sadd.s32 @!p1 $0x280, s25;
	[sflag:s21] =	ssyncadd.s32 $0xFFFFFF80  }
0x5d: {  	[spmem:s4] =	stream.indirect.scatter.add.f32 [tilespmem:s12], [sflag:$0x5], $0x8, s17, s19, $0xb8;
	[tilespmem:$0x5600] =	vst v63  }
0x5e: {  	s30 =	simm.s32 @p1 $0x3;
	s3 =	sand.u32 @!p1 $0x3C00, s29;
	_ =	swait.ge [sflag:s13], $0x400  }
0x5f: {  	s29 =	sand.u32 @!p1 $0x200, s29;
	s0 =	sand.u32 @!p1 $0x280, s25;
	[sflag:s13] =	ssyncset.done $0x0  }
0x60: {  	s25 =	sand.u32 @!p1 $0x3C00, s25;
	s3 =	sadd.s32 @!p1 s6, s3;
	[sflag:s13] =	ssyncadd.s32 $0xFFFFFC00  }
0x61: {  	s25 =	sadd.s32 @!p1 s6, s25;
	s3 =	sor.u32 @!p1 s29, s3;
	_ =	swait.ge @p1 [sflag:s30], $0x80  }
0x62: {  	s29 =	simm.s32 @p1 $0x5500;
	s0 =	sor.u32 @!p1 s0, s25;
	[sflag:s30] =	ssyncset.done @p1 $0x0  }
0x63: {  	s28 =	simm.s32 @p1 $0x1400;
	[sflag:s30] =	ssyncadd.s32 @p1 $0xFFFFFF80;
	s30 =	simm.s32 @p1 $0x5  }
0x64: {  	[spmem:s4] =	stream.indirect.scatter.add.f32 @p1 [tilespmem:s28], [sflag:$0x5], $0x8, s29, s31, $0xb8;
	[tilespmem:$0x5600] =	vst v63  }
0x65: {  	s25 =	smov.u32 s26;
	s3 =	sshrl.u32 @!p1 s3, $0x3;
	_ =	swait.ge @p1 [sflag:s30], $0x400  }
0x66: {  	s26 =	simm.s32 @!p1 $0x5400;
	s3 =	sadd.s32 @!p1 s1, s3;
	[sflag:s30] =	ssyncset.done @p1 $0x0  }
0x67: {  	s28 =	simm.s32 @!p1 $0x0;
	s29 =	simm.s32 @!p1 $0x3;
	[sflag:s30] =	ssyncadd.s32 @p1 $0xFFFFFC00  }
0x68: {  	[tilespmem:s26], [sflag:$0x1] =	stream.linear.gather @!p1 [hbm4b:s3+s28], $0x80, $0x38;
	[tilespmem:$0x5600] =	vst v63  }
0x69: {  	s24 =	sadd.s32 $0x200, s24;
	_ =	swait.ge @!p1 [sflag:s29], $0x80  }
0x6a: {  	p0 =	sne.s32 s24, $0x1400;
	s30 =	simm.s32 @!p1 $0x5500;
	[sflag:s29] =	ssyncset.done @!p1 $0x0  }
0x6b: {  	s3 =	simm.s32 @!p1 $0x1400;
	s26 =	simm.s32 @!p1 $0x80;
	[sflag:s29] =	ssyncadd.s32 @!p1 $0xFFFFFF80  }
0x6c: {  	[spmem:s4] =	stream.indirect.scatter.add.f32 @!p1 [tilespmem:s3], [sflag:$0x5], $0x8, s30, s26, $0xb8;
	[tilespmem:$0x5600] =	vst v63  }
.Ltmp0:
0x6d: {  	s0 =	sshrl.u32 @!p1 s0, $0x3;
	s29 =	simm.s32 @!p1 $0x5;
	(pc) =	sbr.rel @p0 .LBB2_2-.Ltmp0, $4  }
0x6e: {  	s0 =	sadd.s32 @!p1 s1, s0;
	s26 =	sand.u32 $0x1C00, s25;
	_ =	swait.ge @!p1 [sflag:s29], $0x400  }
0x6f: {  	s30 =	sand.u32 $0x200, s25;
	s3 =	sadd.s32 s6, s26;
	[sflag:s29] =	ssyncset.done @!p1 $0x0  }
0x70: {  	s31 =	simm.s32 @!p1 $0x5480;
	s26 =	sor.u32 s30, s3;
	[sflag:s29] =	ssyncadd.s32 @!p1 $0xFFFFFC00  }
0x71: {  	[tilespmem:s31], [sflag:$0x2] =	stream.linear.gather @!p1 [hbm4b:s0+s28], $0x80, $0x38;
	[tilespmem:$0x5600] =	vst v63  }
0x72: {  	_ =	swait.ge [sflag:s22], $0x80  }
0x73: {  	[sflag:s22] =	ssyncset.done $0x0  }
0x74: {  	[sflag:s22] =	ssyncadd.s32 $0xFFFFFF80  }
0x75: {  	[spmem:s4] =	stream.indirect.scatter.add.f32 [tilespmem:s12], [sflag:$0x5], $0x8, s20, s19, $0xb8;
	[tilespmem:$0x5600] =	vst v63  }
0x76: {  	s0 =	sshrl.u32 s26, $0x3;
	_ =	swait.ge [sflag:s13], $0x400  }
0x77: {  	s0 =	sadd.s32 s0, s1;
	[sflag:s13] =	ssyncset.done $0x0  }
0x78: {  	s24 =	sadd.s32 $0x20, s0;
	s3 =	rddreg [dreg:$0x6];
	[sflag:s13] =	ssyncadd.s32 $0xFFFFFC00  }
0x79: {  	[tilespmem:s3], [sflag:$0x3] =	stream.linear.gather [hbm4b:s24+s5], $0x80, $0x38;
	[tilespmem:$0x5600] =	vst v63  }
0x7a: {  	_ =	swait.ge [sflag:s18], $0x80  }
0x7b: {  	[sflag:s18] =	ssyncset.done $0x0  }
0x7c: {  	[sflag:s18] =	ssyncadd.s32 $0xFFFFFF80  }
0x7d: {  	[spmem:s4] =	stream.indirect.scatter.add.f32 [tilespmem:s12], [sflag:$0x5], $0x8, s16, s19, $0xb8;
	[tilespmem:$0x5600] =	vst v63  }
0x7e: {  	_ =	swait.ge [sflag:s13], $0x400  }
0x7f: {  	[sflag:s13] =	ssyncset.done $0x0  }
0x80: {  	s0 =	sadd.s32 $0x30, s0;
	[sflag:s13] =	ssyncadd.s32 $0xFFFFFC00  }
0x81: {  	[tilespmem:s20], [sflag:$0x4] =	stream.linear.gather [hbm4b:s0+s5], $0x80, $0x38;
	[tilespmem:$0x5600] =	vst v63  }
0x82: {  	_ =	swait.ge [sflag:s21], $0x80  }
0x83: {  	[sflag:s21] =	ssyncset.done $0x0  }
0x84: {  	p0 =	seq.s32 s25, $0x1200;
	[sflag:s21] =	ssyncadd.s32 $0xFFFFFF80  }
0x85: {  	[spmem:s4] =	stream.indirect.scatter.add.f32 [tilespmem:s12], [sflag:$0x5], $0x8, s17, s19, $0xb8;
	[tilespmem:$0x5600] =	vst v63  }
0x86: {  	s3 =	sadd.s32 @!p0 $0x200, s25;
	s24 =	sadd.s32 @!p0 $0x280, s25;
	_ =	swait.ge [sflag:s13], $0x400  }
0x87: {  	s25 =	simm.s32 @p0 $0x3;
	s26 =	sand.u32 @!p0 $0x3C00, s3;
	[sflag:s13] =	ssyncset.done $0x0  }
0x88: {  	s3 =	sand.u32 @!p0 $0x200, s3;
	s26 =	sadd.s32 @!p0 s6, s26;
	[sflag:s13] =	ssyncadd.s32 $0xFFFFFC00  }
0x89: {  	s28 =	simm.s32 @p0 $0x80;
	s3 =	sor.u32 @!p0 s3, s26;
	_ =	swait.ge @p0 [sflag:s25], $0x80  }
0x8a: {  	s26 =	simm.s32 @p0 $0x5500;
	s3 =	sshrl.u32 @!p0 s3, $0x3;
	[sflag:s25] =	ssyncset.done @p0 $0x0  }
0x8b: {  	s0 =	simm.s32 @p0 $0x1400;
	[sflag:s25] =	ssyncadd.s32 @p0 $0xFFFFFF80;
	s25 =	simm.s32 @p0 $0x5  }
0x8c: {  	[spmem:s4] =	stream.indirect.scatter.add.f32 @p0 [tilespmem:s0], [sflag:$0x5], $0x8, s26, s28, $0xb8;
	[tilespmem:$0x5600] =	vst v63  }
0x8d: {  	s3 =	sadd.s32 @!p0 s1, s3;
	_ =	swait.ge @p0 [sflag:s25], $0x400  }
0x8e: {  	s0 =	sand.u32 @!p0 $0x3C00, s24;
	s26 =	simm.s32 @!p0 $0x0;
	[sflag:s25] =	ssyncset.done @p0 $0x0  }
0x8f: {  	s28 =	simm.s32 @!p0 $0x5400;
	[sflag:s25] =	ssyncadd.s32 @p0 $0xFFFFFC00;
	s25 =	simm.s32 @!p0 $0x3  }
0x90: {  	[tilespmem:s28], [sflag:$0x1] =	stream.linear.gather @!p0 [hbm4b:s3+s26], $0x80, $0x38;
	[tilespmem:$0x5600] =	vst v63  }
0x91: {  	s29 =	simm.s32 @!p0 $0x5500;
	s0 =	sadd.s32 @!p0 s6, s0;
	_ =	swait.ge @!p0 [sflag:s25], $0x80  }
0x92: {  	s3 =	sand.u32 @!p0 $0x280, s24;
	s24 =	simm.s32 @!p0 $0x1400;
	[sflag:s25] =	ssyncset.done @!p0 $0x0  }
0x93: {  	s28 =	simm.s32 @!p0 $0x80;
	[sflag:s25] =	ssyncadd.s32 @!p0 $0xFFFFFF80;
	s25 =	simm.s32 @!p0 $0x5  }
0x94: {  	[spmem:s4] =	stream.indirect.scatter.add.f32 @!p0 [tilespmem:s24], [sflag:$0x5], $0x8, s29, s28, $0xb8;
	[tilespmem:$0x5600] =	vst v63  }
0x95: {  	s0 =	sor.u32 @!p0 s3, s0;
	_ =	swait.ge @!p0 [sflag:s25], $0x400  }
0x96: {  	s0 =	sshrl.u32 @!p0 s0, $0x3;
	[sflag:s25] =	ssyncset.done @!p0 $0x0  }
0x97: {  	s3 =	simm.s32 @!p0 $0x5480;
	s0 =	sadd.s32 @!p0 s1, s0;
	[sflag:s25] =	ssyncadd.s32 @!p0 $0xFFFFFC00  }
0x98: {  	[tilespmem:s3], [sflag:$0x2] =	stream.linear.gather @!p0 [hbm4b:s0+s26], $0x80, $0x38;
	[tilespmem:$0x5600] =	vst v63  }
0x99: {  	_ =	swait.ge [sflag:s22], $0x80  }
0x9a: {  	[sflag:s22] =	ssyncset.done $0x0  }
0x9b: {  	[sflag:s22] =	ssyncadd.s32 $0xFFFFFF80  }
0x9c: {  	[spmem:s4] =	stream.indirect.scatter.add.f32 [tilespmem:s12], [sflag:$0x5], $0x8, s20, s19, $0xb8;
	[tilespmem:$0x5600] =	vst v63  }
0x9d: {  	_ =	swait.ge [sflag:s13], $0x400  }
0x9e: {  	s23 =	sadd.s32 $0x1, s23;
	[sflag:s13] =	ssyncset.done $0x0  }
0x9f: {  	p0 =	sne.s32 s23, s11;
	[sflag:s13] =	ssyncadd.s32 $0xFFFFFC00  }
.Ltmp1:
0xa0: {  	[bflag:$0x0] =	sbarrier.arrive $0xFFFF;
	(pc) =	sbr.rel @p0 .LBB2_1-.Ltmp1, $4  }
0xa1: {  	[hbm:s10], [sflag:s14] =	dma.local [spmem:s15], $0x2800  }
0xa2: {  	_ =	swait.ge [sflag:s13], $0x2800  }
0xa3: {  	[sflag:s13] =	ssyncset.done $0x0  }
0xa4: {  	[sflag:s13] =	ssyncadd.s32 $0xFFFFD800  }
0xa5: {  	_ =	sfence.sel $0x180000  }
0xa6: {  	[bflag:$0x0] =	sbarrier.arrive $0xFFFF  }
0xa7: {  	_ =	strace $0x90000047  }
0xa8: {  	s0 =	stileid.u32;
	[bflag:$0x2] =	sbarrier.arrive $0xFFFF  }
0xa9: {  	p0 =	sne.s32 s0, $0x0;
	s0 =	rddreg [dreg:$0x5]  }
0xaa: {  	s0 =	sadd.s32 @!p0 $0x100000, s0  }
0xab: {  	[sflag:s0] =	ssyncadd.tile.s32 @!p0 $0x1;
	_ =	shalt  }
.Lfunc_end2:
_tile_overlayer_lowered:
.L_overlay_start_2:
0xac: {  	(tag) =	ssettag $0x2  }
0xad: {  	s0 =	rddreg [dreg:$0x0];
	s2 =	stileid.u32  }
0xae: {  	s1 =	rddreg [dreg:$0x1];
	p0 =	sne.s32 s2, $0x0  }
0xaf: {  	s3 =	rddreg [dreg:$0x2];
	[bflag:$0x3] =	sbarrier.arrive $0xFFFF;
	s2 =	simm.s32 @!p0 $0x1C05  }
0xb0: {  	[timem:s3], [sflag:s2] =	dma.local @!p0 [hbm:s0], s1  }
0xb1: {  	s0 =	simm.s32 @!p0 $0x5  }
0xb2: {  	_ =	swait.ge @!p0 [sflag:s0], s1  }
0xb3: {  	s1 =	ssub.s32 @!p0 $0x0, s1;
	[sflag:s0] =	ssyncset.done @!p0 $0x0  }
0xb4: {  	[sflag:s0] =	ssyncadd.s32 @!p0 s1  }
0xb5: {  	[bflag:$0x3] =	sbarrier.arrive $0xFFFF  }
0xb6: {  	_ =	shalt  }

</sc_bundles>
